<compile_context>
chip_gen: v7x
topology: tpu7x:2x2x1
jax: 0.10.2.dev20260603
libtpu: 0.0.44.dev20260713+nightly
codegen_flags: <defaults>
</compile_context>

<pallas_src>
import jax
import jax.numpy as jnp
import numpy as np
from jax import lax
from jax.experimental import pallas as pl
from jax.experimental.pallas import tpu as pltpu
from jax.experimental.pallas import tpu_sc as plsc

B, C, L = 4, 768, 1024
OUT = 159
OUTP = 256
OUTS = 160
EPS = 1e-5

HB = 2
NC, NS, LANES = 2, 16, 16
NW = NC * NS
EP = HB * L // NW
FC = OUT // LANES + 1
TRASH = L

_CB = np.arange(OUT + 1, dtype=np.int64) * L
_VB = (_CB // OUT).astype(np.int32)
_FB = (_CB % OUT).astype(np.int32)
_V = np.arange(L, dtype=np.int64)
_C0 = (OUT * _V // L).astype(np.int32)
_SPLIT = (L * (_C0.astype(np.int64) + 1) - OUT * _V).astype(np.int32)
_C1 = np.minimum(_C0 + 1, OUT - 1).astype(np.int32)


def _prep_body(x_ref, theta_ref, tbl_ref, slf_ref, gg1_ref, gg2_ref,
               ll1_ref, ll2_ref, lls_ref):
    i = pl.program_id(0)
    xi = x_ref[0]

    sq = jnp.sum(xi * xi, axis=1, keepdims=True)
    g = lax.dot_general(xi, xi, (((1,), (1,)), ((), ())),
                        preferred_element_type=jnp.float32)
    d = sq - 2.0 * g + sq.T

    col = lax.broadcasted_iota(jnp.int32, (L, L), 1)
    m1 = jnp.min(d, axis=1, keepdims=True)
    a1 = jnp.min(jnp.where(d == m1, col, L), axis=1)
    d2 = jnp.where(col == a1[:, None], jnp.inf, d)
    m2 = jnp.min(d2, axis=1, keepdims=True)
    a2 = jnp.min(jnp.where(d2 == m2, col, L), axis=1)

    e_idx = lax.iota(jnp.int32, L)
    mself = jnp.logical_and(a1 != e_idx, a2 != e_idx)
    mi = mself.astype(jnp.int32)

    xt = jnp.dot(xi, theta_ref[...], preferred_element_type=jnp.float32)
    xt3 = xt * (1.0 / 3.0)
    tbl_ref[0, 0] = xt * 0.5
    tbl_ref[0, 1] = xt3
    slf_ref[0] = jnp.where(mself[:, None], xt3[:, :OUTS], 0.0)

    half = (i * 2 + mi) * L
    gg1_ref[0, 0] = half + a1
    gg2_ref[0, 0] = half + a2

    ll1_ref[0, 0] = a1
    ll2_ref[0, 0] = a2
    lls_ref[0, 0] = jnp.where(mself, e_idx, TRASH)


def _agg_body(tbl_hbm, slf_hbm, gg1_hbm, gg2_hbm, out_hbm,
              i1_v, i2_v, r1_v, r2_v, r3_v, sem1, sem2, sem3):
    wid = lax.axis_index("s") * NC + lax.axis_index("c")
    ebase = wid * EP
    h = wid // (L // EP)
    off = ebase - h * L

    cpa = pltpu.async_copy(gg1_hbm.at[h, 0, pl.ds(off, EP)], i1_v, sem1)
    cpb = pltpu.async_copy(gg2_hbm.at[h, 0, pl.ds(off, EP)], i2_v, sem2)
    cp3 = pltpu.async_copy(slf_hbm.at[h, pl.ds(off, EP)], r3_v, sem3)
    cpa.wait()
    cpb.wait()

    cp1 = pltpu.async_copy(tbl_hbm.at[i1_v], r1_v, sem1)
    cp2 = pltpu.async_copy(tbl_hbm.at[i2_v], r2_v, sem2)
    cp1.wait()
    cp2.wait()
    cp3.wait()

    def _edge(j, _):
        for fc in range(FC):
            sl = pl.ds(fc * LANES, LANES)
            r3_v[j, sl] = r3_v[j, sl] + r1_v[j, sl] + r2_v[j, sl]
        return 0
    lax.fori_loop(0, EP, _edge, 0)

    pltpu.sync_copy(r3_v, out_hbm.at[pl.ds(ebase, EP)])


def _finale_body(xea_ref, xeb_ref, l1a_ref, l2a_ref, lsa_ref,
                 l1b_ref, l2b_ref, lsb_ref, gamma_ref, beta_ref,
                 vb_ref, fb_ref, c0_ref, c1_ref, split_ref, out_ref):
    col = lax.broadcasted_iota(jnp.int32, (L, L), 1)
    colb = lax.broadcasted_iota(jnp.int32, (OUT + 1, L), 1)
    colf = lax.broadcasted_iota(jnp.int32, (OUT + 1, OUT), 1)
    oh_v = (colb == vb_ref[...][:, None]).astype(jnp.float32)
    oh_tri = (colb < vb_ref[...][:, None]).astype(jnp.float32)
    m_f = (colf < fb_ref[...][:, None]).astype(jnp.float32)

    xns = []
    chs = jnp.zeros((OUT,), jnp.float32)
    chq = jnp.zeros((OUT,), jnp.float32)
    for b in range(B):
        xe_ref = xea_ref if b < HB else xeb_ref
        refs = (l1a_ref, l2a_ref, lsa_ref) if b < HB else \
               (l1b_ref, l2b_ref, lsb_ref)
        j = b % HB
        l1 = refs[0][j, 0]
        l2 = refs[1][j, 0]
        l3 = refs[2][j, 0]
        a = ((col == l1[:, None]) | (col == l2[:, None])
             | (col == l3[:, None])).astype(jnp.float32)
        deg = jnp.sum(a, axis=0)
        s = lax.dot_general(a, xe_ref[j], (((0,), (0,)), ((), ())),
                            preferred_element_type=jnp.float32)
        xn = s[:, :OUT] / deg[:, None]
        xns.append(xn)

        xsq = xn * xn
        rows = jnp.sum(xn, axis=1, keepdims=True)
        rows2 = jnp.sum(xsq, axis=1, keepdims=True)
        p = (jnp.dot(oh_tri, rows, preferred_element_type=jnp.float32)[:, 0]
             + jnp.sum(jnp.dot(oh_v, xn,
                               preferred_element_type=jnp.float32) * m_f,
                       axis=1))
        p2 = (jnp.dot(oh_tri, rows2, preferred_element_type=jnp.float32)[:, 0]
              + jnp.sum(jnp.dot(oh_v, xsq,
                                preferred_element_type=jnp.float32) * m_f,
                        axis=1))
        chs = chs + (p[1:] - p[:-1])
        chq = chq + (p2[1:] - p2[:-1])

    n = float(B * L)
    mean = chs / n
    var = jnp.maximum(chq / n - mean * mean, 0.0)
    u = gamma_ref[...] * lax.rsqrt(var + EPS)
    w = beta_ref[...] - mean * u

    colc = lax.broadcasted_iota(jnp.int32, (L, OUT), 1)
    oh_c0 = (colc == c0_ref[...][:, None]).astype(jnp.float32)
    oh_c1 = (colc == c1_ref[...][:, None]).astype(jnp.float32)
    sel = colc < split_ref[...][:, None]
    u2 = jnp.stack([u, w], axis=1)
    m0 = jnp.dot(oh_c0, u2, preferred_element_type=jnp.float32)
    m1 = jnp.dot(oh_c1, u2, preferred_element_type=jnp.float32)
    umap = jnp.where(sel, m0[:, 0][:, None], m1[:, 0][:, None])
    wmap = jnp.where(sel, m0[:, 1][:, None], m1[:, 1][:, None])

    for b in range(B):
        out_ref[b] = jnp.maximum(xns[b] * umap + wmap, 0.0)


@jax.jit
def kernel(x, theta, bn_gamma, bn_beta):
    xr = x.reshape(B, L, C)
    theta_pad = jnp.pad(theta, ((0, 0), (0, OUTP - OUT)))

    i32 = jnp.int32
    f32 = jnp.float32
    idx_shape = jax.ShapeDtypeStruct((HB, 1, L), i32)

    def prep(h):
        idx_spec = pl.BlockSpec((1, 1, L), lambda i: (i, 0, 0))
        return pl.pallas_call(
            _prep_body,
            grid=(HB,),
            in_specs=[
                pl.BlockSpec((1, L, C), lambda i, h=h: (i + HB * h, 0, 0)),
                pl.BlockSpec((C, OUTP), lambda i: (0, 0)),
            ],
            out_specs=[
                pl.BlockSpec((1, 2, L, OUTP), lambda i: (i, 0, 0, 0)),
                pl.BlockSpec((1, L, OUTS), lambda i: (i, 0, 0)),
                idx_spec, idx_spec, idx_spec, idx_spec, idx_spec,
            ],
            out_shape=[
                jax.ShapeDtypeStruct((HB, 2, L, OUTP), f32),
                jax.ShapeDtypeStruct((HB, L, OUTS), f32),
                idx_shape, idx_shape, idx_shape, idx_shape, idx_shape,
            ],
        )(xr, theta_pad)

    agg = pl.kernel(
        _agg_body,
        out_type=jax.ShapeDtypeStruct((HB * L, OUTS), f32),
        mesh=plsc.VectorSubcoreMesh(core_axis_name="c", subcore_axis_name="s"),
        scratch_types=[
            pltpu.VMEM((EP,), i32),
            pltpu.VMEM((EP,), i32),
            pltpu.VMEM((EP, OUTP), f32),
            pltpu.VMEM((EP, OUTP), f32),
            pltpu.VMEM((EP, OUTS), f32),
            pltpu.SemaphoreType.DMA,
            pltpu.SemaphoreType.DMA,
            pltpu.SemaphoreType.DMA,
        ],
    )

    tbl_a, slf_a, gg1a, gg2a, ll1a, ll2a, llsa = prep(0)
    xe_a = agg(tbl_a.reshape(HB * 2 * L, OUTP), slf_a, gg1a, gg2a)
    tbl_b, slf_b, gg1b, gg2b, ll1b, ll2b, llsb = prep(1)
    xe_b = agg(tbl_b.reshape(HB * 2 * L, OUTP), slf_b, gg1b, gg2b)

    yo = pl.pallas_call(
        _finale_body,
        out_shape=jax.ShapeDtypeStruct((B, L, OUT), f32),
    )(xe_a.reshape(HB, L, OUTS), xe_b.reshape(HB, L, OUTS),
      ll1a, ll2a, llsa, ll1b, ll2b, llsb, bn_gamma, bn_beta,
      jnp.asarray(_VB), jnp.asarray(_FB), jnp.asarray(_C0),
      jnp.asarray(_C1), jnp.asarray(_SPLIT))
    return yo.reshape(B, OUT, L, 1)

# --- scband reference (transcript-rebuilt; emitter-appended) ---
"""Pipeline reference for scband-dahh-11639361372555 (READ-ONLY COPY).

The authoritative reference and input builder live on the scoring server;
editing this copy changes nothing except your own understanding.
"""

import jax, jax.numpy as jnp
import numpy as np

B, C, L = 4, 768, 1024
OUT = 159
K = 3
EPS = 1e-5

def pairwise_euclidean_distance(x):
    x_inner = -2.0 * (x @ x.T)
    x_sq = jnp.sum(x ** 2, axis=1, keepdims=True)
    return x_sq + x_inner + x_sq.T

def neighbor_distance(x, k):
    n = x.shape[0]
    dis = pairwise_euclidean_distance(x)
    _, nn_idx = jax.lax.top_k(-dis, k - 1)  # k-1 smallest distances
    self_node = jnp.arange(n)[:, None]
    nn_idx = jnp.concatenate([nn_idx, self_node], axis=1).reshape(-1)
    hyedge_idx = jnp.repeat(jnp.arange(n), k)
    h = jnp.zeros((n, n), dtype=jnp.float32).at[nn_idx, hyedge_idx].set(1.0)
    return h

def hconv(x, H, theta):
    x = x @ theta
    # gen_hyedge_ft
    hyedge_norm = jnp.linalg.inv(jnp.diag(jnp.sum(H, axis=0)))
    x = (H @ hyedge_norm).T @ x
    # gen_node_ft
    node_norm = jnp.linalg.inv(jnp.diag(jnp.sum(H, axis=1)))
    x = (node_norm @ H) @ x
    return x

def setup_inputs(seed: int = 0):
    key = jax.random.key(seed)
    k1, k2 = jax.random.split(key, 2)
    x = jax.random.normal(k1, (B, C, L), dtype=jnp.float32)
    theta = jax.random.normal(k2, (C, OUT), dtype=jnp.float32) * (1.0 / np.sqrt(C))
    bn_gamma = jnp.ones((OUT,), dtype=jnp.float32)
    bn_beta = jnp.zeros((OUT,), dtype=jnp.float32)
    return {"x": x, "theta": theta, "bn_gamma": bn_gamma, "bn_beta": bn_beta}

def reference(x, theta, bn_gamma, bn_beta):
    b = x.shape[0]
    xr = x.reshape(b, L, -1)  # faithful reshape (not transpose), feature dim = C
    outs = []
    for i in range(b):
        H = neighbor_distance(xr[i], K)
        outs.append(hconv(xr[i], H, theta))
    out = jnp.concatenate(outs, axis=0)  # [B*L, OUT]
    Lo = out.shape[0] // b
    y = out.reshape(b, -1, Lo, 1)  # faithful view: [B, OUT, L, 1]
    # BatchNorm2d in training mode (batch statistics, biased variance)
    mean = jnp.mean(y, axis=(0, 2, 3), keepdims=True)
    var = jnp.var(y, axis=(0, 2, 3), keepdims=True)
    y = (y - mean) / jnp.sqrt(var + EPS)
    y = y * bn_gamma[None, :, None, None] + bn_beta[None, :, None, None]
    y = jax.nn.relu(y)
    return y

if __name__ == "__main__":
    import jax
    _d = setup_inputs()
    print(jax.jit(kernel)(*tuple(_d.values())))

</pallas_src>

<mosaic_0001>
#map = affine_map<(d0, d1) -> (0, 0)>
#map1 = affine_map<(d0, d1) -> (0, 0, 0)>
module attributes {stable_mosaic.version = 14 : i64} {
  func.func @_agg_body(%arg0: i32, %arg1: i32, %arg2: memref<4096x256xf32, #tpu.memory_space<hbm>>, %arg3: memref<2x1024x160xf32, #tpu.memory_space<hbm>>, %arg4: memref<2x1x1024xi32, #tpu.memory_space<hbm>>, %arg5: memref<2x1x1024xi32, #tpu.memory_space<hbm>>, %arg6: memref<2048x160xf32, #tpu.memory_space<hbm>>, %arg7: memref<64xi32, #tpu.memory_space<vmem>>, %arg8: memref<64xi32, #tpu.memory_space<vmem>>, %arg9: memref<64x256xf32, #tpu.memory_space<vmem>>, %arg10: memref<64x256xf32, #tpu.memory_space<vmem>>, %arg11: memref<64x160xf32, #tpu.memory_space<vmem>>, %arg12: memref<!tpu.dma_semaphore, #tpu.memory_space<semaphore_mem>>, %arg13: memref<!tpu.dma_semaphore, #tpu.memory_space<semaphore_mem>>, %arg14: memref<!tpu.dma_semaphore, #tpu.memory_space<semaphore_mem>>) attributes {dimension_semantics = [#tpu.dimension_semantics<core_parallel>, #tpu.dimension_semantics<subcore_parallel>], iteration_bounds = array<i64: 2, 16>, scalar_prefetch = 0 : i64, scratch_operands = 8 : i64, tpu.core_type = #tpu.core_type<sc_vector_subcore>, window_params = [{transform_indices = #map}, {transform_indices = #map1}, {transform_indices = #map1}, {transform_indices = #map1}, {transform_indices = #map}]} {
    %mul3A = arith.constant 2 : i32
    %mul3A_0 = arith.muli %arg1, %mul3A : i32
    %add3A = arith.addi %mul3A_0, %arg0 : i32
    %mul3A_1 = arith.constant 64 : i32
    %mul3A_2 = arith.muli %add3A, %mul3A_1 : i32
    %jit3A = arith.constant 16 : i32
    %div3A = arith.divsi %add3A, %jit3A : i32
    %sign3A = arith.constant 0 : i32
    %sign3A_3 = arith.cmpi sgt, %add3A, %sign3A : i32
    %sign3A_4 = arith.extui %sign3A_3 : i1 to i32
    %sign3A_5 = arith.constant 0 : i32
    %sign3A_6 = arith.cmpi slt, %add3A, %sign3A_5 : i32
    %sign3A_7 = arith.extui %sign3A_6 : i1 to i32
    %sign3A_8 = arith.subi %sign3A_4, %sign3A_7 : i32
    %sign3A_9 = arith.constant 0 : i32
    %sign3A_10 = arith.cmpi sgt, %jit3A, %sign3A_9 : i32
    %sign3A_11 = arith.extui %sign3A_10 : i1 to i32
    %sign3A_12 = arith.constant 0 : i32
    %sign3A_13 = arith.cmpi slt, %jit3A, %sign3A_12 : i32
    %sign3A_14 = arith.extui %sign3A_13 : i1 to i32
    %sign3A_15 = arith.subi %sign3A_11, %sign3A_14 : i32
    %ne3A = arith.cmpi ne, %sign3A_8, %sign3A_15 : i32
    %rem3A = arith.remsi %add3A, %jit3A : i32
    %ne3A_16 = arith.constant 0 : i32
    %ne3A_17 = arith.cmpi ne, %rem3A, %ne3A_16 : i32
    %and3A = arith.andi %ne3A, %ne3A_17 : i1
    %sub3A = arith.constant 1 : i32
    %sub3A_18 = arith.subi %div3A, %sub3A : i32
    %select_n3A = arith.select %and3A, %sub3A_18, %div3A : i32
    %mul3A_19 = arith.constant 1024 : i32
    %mul3A_20 = arith.muli %select_n3A, %mul3A_19 : i32
    %sub3A_21 = arith.subi %mul3A_2, %mul3A_20 : i32
    %dma_start3A = arith.constant 0 : i32
    %dma_start3A_22 = tpu.memref_slice %arg4[%select_n3A, %dma_start3A, %sub3A_21] : memref<2x1x1024xi32, #tpu.memory_space<hbm>> -> memref<1x1x64xi32, #tpu.memory_space<hbm>>
    %dma_start3A_23 = tpu.memref_squeeze %dma_start3A_22 : memref<1x1x64xi32, #tpu.memory_space<hbm>> -> memref<64xi32, #tpu.memory_space<hbm>>
    %dma_start3A_24 = tpu.memref_slice %arg4[%select_n3A, %dma_start3A, %sub3A_21] : memref<2x1x1024xi32, #tpu.memory_space<hbm>> -> memref<1x1x64xi32, #tpu.memory_space<hbm>>
    %dma_start3A_25 = tpu.memref_squeeze %dma_start3A_24 : memref<1x1x64xi32, #tpu.memory_space<hbm>> -> memref<64xi32, #tpu.memory_space<hbm>>
    tpu.enqueue_dma source(%dma_start3A_25 : memref<64xi32, #tpu.memory_space<hbm>>) target(%arg7 : memref<64xi32, #tpu.memory_space<vmem>>) target_semaphore(%arg12 : memref<!tpu.dma_semaphore, #tpu.memory_space<semaphore_mem>>)
    %dma_start3A_26 = arith.constant 0 : i32
    %dma_start3A_27 = tpu.memref_slice %arg5[%select_n3A, %dma_start3A_26, %sub3A_21] : memref<2x1x1024xi32, #tpu.memory_space<hbm>> -> memref<1x1x64xi32, #tpu.memory_space<hbm>>
    %dma_start3A_28 = tpu.memref_squeeze %dma_start3A_27 : memref<1x1x64xi32, #tpu.memory_space<hbm>> -> memref<64xi32, #tpu.memory_space<hbm>>
    %dma_start3A_29 = tpu.memref_slice %arg5[%select_n3A, %dma_start3A_26, %sub3A_21] : memref<2x1x1024xi32, #tpu.memory_space<hbm>> -> memref<1x1x64xi32, #tpu.memory_space<hbm>>
    %dma_start3A_30 = tpu.memref_squeeze %dma_start3A_29 : memref<1x1x64xi32, #tpu.memory_space<hbm>> -> memref<64xi32, #tpu.memory_space<hbm>>
    tpu.enqueue_dma source(%dma_start3A_30 : memref<64xi32, #tpu.memory_space<hbm>>) target(%arg8 : memref<64xi32, #tpu.memory_space<vmem>>) target_semaphore(%arg13 : memref<!tpu.dma_semaphore, #tpu.memory_space<semaphore_mem>>)
    %dma_start3A_31 = arith.constant 0 : i32
    %dma_start3A_32 = tpu.memref_slice %arg3[%select_n3A, %sub3A_21, %dma_start3A_31] : memref<2x1024x160xf32, #tpu.memory_space<hbm>> -> memref<1x64x160xf32, #tpu.memory_space<hbm>>
    %dma_start3A_33 = tpu.memref_squeeze %dma_start3A_32 : memref<1x64x160xf32, #tpu.memory_space<hbm>> -> memref<64x160xf32, #tpu.memory_space<hbm>>
    %dma_start3A_34 = arith.constant 0 : i32
    %dma_start3A_35 = tpu.memref_slice %arg3[%select_n3A, %sub3A_21, %dma_start3A_34] : memref<2x1024x160xf32, #tpu.memory_space<hbm>> -> memref<1x64x160xf32, #tpu.memory_space<hbm>>
    %dma_start3A_36 = tpu.memref_squeeze %dma_start3A_35 : memref<1x64x160xf32, #tpu.memory_space<hbm>> -> memref<64x160xf32, #tpu.memory_space<hbm>>
    tpu.enqueue_dma source(%dma_start3A_36 : memref<64x160xf32, #tpu.memory_space<hbm>>) target(%arg11 : memref<64x160xf32, #tpu.memory_space<vmem>>) target_semaphore(%arg14 : memref<!tpu.dma_semaphore, #tpu.memory_space<semaphore_mem>>)
    %dma_wait3A = arith.constant 0 : i32
    %dma_wait3A_37 = tpu.memref_slice %arg4[%select_n3A, %dma_wait3A, %sub3A_21] : memref<2x1x1024xi32, #tpu.memory_space<hbm>> -> memref<1x1x64xi32, #tpu.memory_space<hbm>>
    %dma_wait3A_38 = tpu.memref_squeeze %dma_wait3A_37 : memref<1x1x64xi32, #tpu.memory_space<hbm>> -> memref<64xi32, #tpu.memory_space<hbm>>
    %dma_wait3A_39 = tpu.memref_slice %arg4[%select_n3A, %dma_wait3A, %sub3A_21] : memref<2x1x1024xi32, #tpu.memory_space<hbm>> -> memref<1x1x64xi32, #tpu.memory_space<hbm>>
    %dma_wait3A_40 = tpu.memref_squeeze %dma_wait3A_39 : memref<1x1x64xi32, #tpu.memory_space<hbm>> -> memref<64xi32, #tpu.memory_space<hbm>>
    tpu.wait_dma2 semaphore(%arg12 : memref<!tpu.dma_semaphore, #tpu.memory_space<semaphore_mem>>) src(%dma_wait3A_40 : memref<64xi32, #tpu.memory_space<hbm>>) dst(%arg7 : memref<64xi32, #tpu.memory_space<vmem>>)
    %dma_wait3A_41 = arith.constant 0 : i32
    %dma_wait3A_42 = tpu.memref_slice %arg5[%select_n3A, %dma_wait3A_41, %sub3A_21] : memref<2x1x1024xi32, #tpu.memory_space<hbm>> -> memref<1x1x64xi32, #tpu.memory_space<hbm>>
    %dma_wait3A_43 = tpu.memref_squeeze %dma_wait3A_42 : memref<1x1x64xi32, #tpu.memory_space<hbm>> -> memref<64xi32, #tpu.memory_space<hbm>>
    %dma_wait3A_44 = tpu.memref_slice %arg5[%select_n3A, %dma_wait3A_41, %sub3A_21] : memref<2x1x1024xi32, #tpu.memory_space<hbm>> -> memref<1x1x64xi32, #tpu.memory_space<hbm>>
    %dma_wait3A_45 = tpu.memref_squeeze %dma_wait3A_44 : memref<1x1x64xi32, #tpu.memory_space<hbm>> -> memref<64xi32, #tpu.memory_space<hbm>>
    tpu.wait_dma2 semaphore(%arg13 : memref<!tpu.dma_semaphore, #tpu.memory_space<semaphore_mem>>) src(%dma_wait3A_45 : memref<64xi32, #tpu.memory_space<hbm>>) dst(%arg8 : memref<64xi32, #tpu.memory_space<vmem>>)
    %dma_start3A_46 = arith.constant 0 : i32
    %dma_start3A_47 = arith.constant 0 : i32
    %dma_start3A_48 = tpu.memref_slice %arg2[%dma_start3A_46, %dma_start3A_47] : memref<4096x256xf32, #tpu.memory_space<hbm>> -> memref<4096x256xf32, #tpu.memory_space<hbm>>
    tpu.enqueue_indirect_dma source(%dma_start3A_48 : memref<4096x256xf32, #tpu.memory_space<hbm>>) target(%arg9 : memref<64x256xf32, #tpu.memory_space<vmem>>) offsets(%arg7 : memref<64xi32, #tpu.memory_space<vmem>>) semaphore(%arg12 : memref<!tpu.dma_semaphore, #tpu.memory_space<semaphore_mem>>)
    %dma_start3A_49 = arith.constant 0 : i32
    %dma_start3A_50 = arith.constant 0 : i32
    %dma_start3A_51 = tpu.memref_slice %arg2[%dma_start3A_49, %dma_start3A_50] : memref<4096x256xf32, #tpu.memory_space<hbm>> -> memref<4096x256xf32, #tpu.memory_space<hbm>>
    tpu.enqueue_indirect_dma source(%dma_start3A_51 : memref<4096x256xf32, #tpu.memory_space<hbm>>) target(%arg10 : memref<64x256xf32, #tpu.memory_space<vmem>>) offsets(%arg8 : memref<64xi32, #tpu.memory_space<vmem>>) semaphore(%arg13 : memref<!tpu.dma_semaphore, #tpu.memory_space<semaphore_mem>>)
    %dma_wait3A_52 = arith.constant 0 : i32
    %dma_wait3A_53 = arith.constant 0 : i32
    %dma_wait3A_54 = tpu.memref_slice %arg2[%dma_wait3A_52, %dma_wait3A_53] : memref<4096x256xf32, #tpu.memory_space<hbm>> -> memref<4096x256xf32, #tpu.memory_space<hbm>>
    tpu.wait_indirect_dma semaphore(%arg12 : memref<!tpu.dma_semaphore, #tpu.memory_space<semaphore_mem>>) src(%dma_wait3A_54 : memref<4096x256xf32, #tpu.memory_space<hbm>>) dst(%arg9 : memref<64x256xf32, #tpu.memory_space<vmem>>)
    %dma_wait3A_55 = arith.constant 0 : i32
    %dma_wait3A_56 = arith.constant 0 : i32
    %dma_wait3A_57 = tpu.memref_slice %arg2[%dma_wait3A_55, %dma_wait3A_56] : memref<4096x256xf32, #tpu.memory_space<hbm>> -> memref<4096x256xf32, #tpu.memory_space<hbm>>
    tpu.wait_indirect_dma semaphore(%arg13 : memref<!tpu.dma_semaphore, #tpu.memory_space<semaphore_mem>>) src(%dma_wait3A_57 : memref<4096x256xf32, #tpu.memory_space<hbm>>) dst(%arg10 : memref<64x256xf32, #tpu.memory_space<vmem>>)
    %dma_wait3A_58 = arith.constant 0 : i32
    %dma_wait3A_59 = tpu.memref_slice %arg3[%select_n3A, %sub3A_21, %dma_wait3A_58] : memref<2x1024x160xf32, #tpu.memory_space<hbm>> -> memref<1x64x160xf32, #tpu.memory_space<hbm>>
    %dma_wait3A_60 = tpu.memref_squeeze %dma_wait3A_59 : memref<1x64x160xf32, #tpu.memory_space<hbm>> -> memref<64x160xf32, #tpu.memory_space<hbm>>
    %dma_wait3A_61 = arith.constant 0 : i32
    %dma_wait3A_62 = tpu.memref_slice %arg3[%select_n3A, %sub3A_21, %dma_wait3A_61] : memref<2x1024x160xf32, #tpu.memory_space<hbm>> -> memref<1x64x160xf32, #tpu.memory_space<hbm>>
    %dma_wait3A_63 = tpu.memref_squeeze %dma_wait3A_62 : memref<1x64x160xf32, #tpu.memory_space<hbm>> -> memref<64x160xf32, #tpu.memory_space<hbm>>
    tpu.wait_dma2 semaphore(%arg14 : memref<!tpu.dma_semaphore, #tpu.memory_space<semaphore_mem>>) src(%dma_wait3A_63 : memref<64x160xf32, #tpu.memory_space<hbm>>) dst(%arg11 : memref<64x160xf32, #tpu.memory_space<vmem>>)
    %scan3A = arith.constant 0 : i32
    %scan3A_64 = arith.constant 0 : i32
    %scan3A_65 = arith.constant 64 : i32
    %scan3A_66 = arith.addi %scan3A_64, %scan3A_65 : i32
    %scan3A_67 = arith.constant 1 : i32
    %scan3A_68 = scf.for %scan3A_70 = %scan3A_64 to %scan3A_66 step %scan3A_67 iter_args(%scan3A_71 = %scan3A) -> (i32)  : i32 {
      %get3A = arith.index_cast %scan3A_70 : i32 to index
      %get3A_72 = arith.constant 0 : index
      %get3A_73 = tpu.vector_load %arg11[%get3A, %get3A_72] {strides = array<i32>} : memref<64x160xf32, #tpu.memory_space<vmem>>, vector<1x16xf32>,
      %get3A_74 = vector.shape_cast %get3A_73 : vector<1x16xf32> to vector<16xf32>
      %get3A_75 = arith.index_cast %scan3A_70 : i32 to index
      %get3A_76 = arith.constant 0 : index
      %get3A_77 = tpu.vector_load %arg9[%get3A_75, %get3A_76] {strides = array<i32>} : memref<64x256xf32, #tpu.memory_space<vmem>>, vector<1x16xf32>,
      %get3A_78 = vector.shape_cast %get3A_77 : vector<1x16xf32> to vector<16xf32>
      %add3A_79 = arith.addf %get3A_74, %get3A_78 : vector<16xf32>
      %get3A_80 = arith.index_cast %scan3A_70 : i32 to index
      %get3A_81 = arith.constant 0 : index
      %get3A_82 = tpu.vector_load %arg10[%get3A_80, %get3A_81] {strides = array<i32>} : memref<64x256xf32, #tpu.memory_space<vmem>>, vector<1x16xf32>,
      %get3A_83 = vector.shape_cast %get3A_82 : vector<1x16xf32> to vector<16xf32>
      %add3A_84 = arith.addf %add3A_79, %get3A_83 : vector<16xf32>
      %swap3A = arith.index_cast %scan3A_70 : i32 to index
      %swap3A_85 = arith.constant 0 : index
      %swap3A_86 = tpu.vector_load %arg11[%swap3A, %swap3A_85] {strides = array<i32>} : memref<64x160xf32, #tpu.memory_space<vmem>>, vector<1x16xf32>,
      %swap3A_87 = vector.shape_cast %swap3A_86 : vector<1x16xf32> to vector<16xf32>
      %swap3A_88 = vector.shape_cast %add3A_84 : vector<16xf32> to vector<1x16xf32>
      tpu.vector_store %arg11[%swap3A, %swap3A_85], %swap3A_88 {strides = array<i32>} : memref<64x160xf32, #tpu.memory_space<vmem>>, vector<1x16xf32>,
      %get3A_89 = arith.index_cast %scan3A_70 : i32 to index
      %get3A_90 = arith.constant 16 : index
      %get3A_91 = tpu.vector_load %arg11[%get3A_89, %get3A_90] {strides = array<i32>} : memref<64x160xf32, #tpu.memory_space<vmem>>, vector<1x16xf32>,
      %get3A_92 = vector.shape_cast %get3A_91 : vector<1x16xf32> to vector<16xf32>
      %get3A_93 = arith.index_cast %scan3A_70 : i32 to index
      %get3A_94 = arith.constant 16 : index
      %get3A_95 = tpu.vector_load %arg9[%get3A_93, %get3A_94] {strides = array<i32>} : memref<64x256xf32, #tpu.memory_space<vmem>>, vector<1x16xf32>,
      %get3A_96 = vector.shape_cast %get3A_95 : vector<1x16xf32> to vector<16xf32>
      %add3A_97 = arith.addf %get3A_92, %get3A_96 : vector<16xf32>
      %get3A_98 = arith.index_cast %scan3A_70 : i32 to index
      %get3A_99 = arith.constant 16 : index
      %get3A_100 = tpu.vector_load %arg10[%get3A_98, %get3A_99] {strides = array<i32>} : memref<64x256xf32, #tpu.memory_space<vmem>>, vector<1x16xf32>,
      %get3A_101 = vector.shape_cast %get3A_100 : vector<1x16xf32> to vector<16xf32>
      %add3A_102 = arith.addf %add3A_97, %get3A_101 : vector<16xf32>
      %swap3A_103 = arith.index_cast %scan3A_70 : i32 to index
      %swap3A_104 = arith.constant 16 : index
      %swap3A_105 = tpu.vector_load %arg11[%swap3A_103, %swap3A_104] {strides = array<i32>} : memref<64x160xf32, #tpu.memory_space<vmem>>, vector<1x16xf32>,
      %swap3A_106 = vector.shape_cast %swap3A_105 : vector<1x16xf32> to vector<16xf32>
      %swap3A_107 = vector.shape_cast %add3A_102 : vector<16xf32> to vector<1x16xf32>
      tpu.vector_store %arg11[%swap3A_103, %swap3A_104], %swap3A_107 {strides = array<i32>} : memref<64x160xf32, #tpu.memory_space<vmem>>, vector<1x16xf32>,
      %get3A_108 = arith.index_cast %scan3A_70 : i32 to index
      %get3A_109 = arith.constant 32 : index
      %get3A_110 = tpu.vector_load %arg11[%get3A_108, %get3A_109] {strides = array<i32>} : memref<64x160xf32, #tpu.memory_space<vmem>>, vector<1x16xf32>,
      %get3A_111 = vector.shape_cast %get3A_110 : vector<1x16xf32> to vector<16xf32>
      %get3A_112 = arith.index_cast %scan3A_70 : i32 to index
      %get3A_113 = arith.constant 32 : index
      %get3A_114 = tpu.vector_load %arg9[%get3A_112, %get3A_113] {strides = array<i32>} : memref<64x256xf32, #tpu.memory_space<vmem>>, vector<1x16xf32>,
      %get3A_115 = vector.shape_cast %get3A_114 : vector<1x16xf32> to vector<16xf32>
      %add3A_116 = arith.addf %get3A_111, %get3A_115 : vector<16xf32>
      %get3A_117 = arith.index_cast %scan3A_70 : i32 to index
      %get3A_118 = arith.constant 32 : index
      %get3A_119 = tpu.vector_load %arg10[%get3A_117, %get3A_118] {strides = array<i32>} : memref<64x256xf32, #tpu.memory_space<vmem>>, vector<1x16xf32>,
      %get3A_120 = vector.shape_cast %get3A_119 : vector<1x16xf32> to vector<16xf32>
      %add3A_121 = arith.addf %add3A_116, %get3A_120 : vector<16xf32>
      %swap3A_122 = arith.index_cast %scan3A_70 : i32 to index
      %swap3A_123 = arith.constant 32 : index
      %swap3A_124 = tpu.vector_load %arg11[%swap3A_122, %swap3A_123] {strides = array<i32>} : memref<64x160xf32, #tpu.memory_space<vmem>>, vector<1x16xf32>,
      %swap3A_125 = vector.shape_cast %swap3A_124 : vector<1x16xf32> to vector<16xf32>
      %swap3A_126 = vector.shape_cast %add3A_121 : vector<16xf32> to vector<1x16xf32>
      tpu.vector_store %arg11[%swap3A_122, %swap3A_123], %swap3A_126 {strides = array<i32>} : memref<64x160xf32, #tpu.memory_space<vmem>>, vector<1x16xf32>,
      %get3A_127 = arith.index_cast %scan3A_70 : i32 to index
      %get3A_128 = arith.constant 48 : index
      %get3A_129 = tpu.vector_load %arg11[%get3A_127, %get3A_128] {strides = array<i32>} : memref<64x160xf32, #tpu.memory_space<vmem>>, vector<1x16xf32>,
      %get3A_130 = vector.shape_cast %get3A_129 : vector<1x16xf32> to vector<16xf32>
      %get3A_131 = arith.index_cast %scan3A_70 : i32 to index
      %get3A_132 = arith.constant 48 : index
      %get3A_133 = tpu.vector_load %arg9[%get3A_131, %get3A_132] {strides = array<i32>} : memref<64x256xf32, #tpu.memory_space<vmem>>, vector<1x16xf32>,
      %get3A_134 = vector.shape_cast %get3A_133 : vector<1x16xf32> to vector<16xf32>
      %add3A_135 = arith.addf %get3A_130, %get3A_134 : vector<16xf32>
      %get3A_136 = arith.index_cast %scan3A_70 : i32 to index
      %get3A_137 = arith.constant 48 : index
      %get3A_138 = tpu.vector_load %arg10[%get3A_136, %get3A_137] {strides = array<i32>} : memref<64x256xf32, #tpu.memory_space<vmem>>, vector<1x16xf32>,
      %get3A_139 = vector.shape_cast %get3A_138 : vector<1x16xf32> to vector<16xf32>
      %add3A_140 = arith.addf %add3A_135, %get3A_139 : vector<16xf32>
      %swap3A_141 = arith.index_cast %scan3A_70 : i32 to index
      %swap3A_142 = arith.constant 48 : index
      %swap3A_143 = tpu.vector_load %arg11[%swap3A_141, %swap3A_142] {strides = array<i32>} : memref<64x160xf32, #tpu.memory_space<vmem>>, vector<1x16xf32>,
      %swap3A_144 = vector.shape_cast %swap3A_143 : vector<1x16xf32> to vector<16xf32>
      %swap3A_145 = vector.shape_cast %add3A_140 : vector<16xf32> to vector<1x16xf32>
      tpu.vector_store %arg11[%swap3A_141, %swap3A_142], %swap3A_145 {strides = array<i32>} : memref<64x160xf32, #tpu.memory_space<vmem>>, vector<1x16xf32>,
      %get3A_146 = arith.index_cast %scan3A_70 : i32 to index
      %get3A_147 = arith.constant 64 : index
      %get3A_148 = tpu.vector_load %arg11[%get3A_146, %get3A_147] {strides = array<i32>} : memref<64x160xf32, #tpu.memory_space<vmem>>, vector<1x16xf32>,
      %get3A_149 = vector.shape_cast %get3A_148 : vector<1x16xf32> to vector<16xf32>
      %get3A_150 = arith.index_cast %scan3A_70 : i32 to index
      %get3A_151 = arith.constant 64 : index
      %get3A_152 = tpu.vector_load %arg9[%get3A_150, %get3A_151] {strides = array<i32>} : memref<64x256xf32, #tpu.memory_space<vmem>>, vector<1x16xf32>,
      %get3A_153 = vector.shape_cast %get3A_152 : vector<1x16xf32> to vector<16xf32>
      %add3A_154 = arith.addf %get3A_149, %get3A_153 : vector<16xf32>
      %get3A_155 = arith.index_cast %scan3A_70 : i32 to index
      %get3A_156 = arith.constant 64 : index
      %get3A_157 = tpu.vector_load %arg10[%get3A_155, %get3A_156] {strides = array<i32>} : memref<64x256xf32, #tpu.memory_space<vmem>>, vector<1x16xf32>,
      %get3A_158 = vector.shape_cast %get3A_157 : vector<1x16xf32> to vector<16xf32>
      %add3A_159 = arith.addf %add3A_154, %get3A_158 : vector<16xf32>
      %swap3A_160 = arith.index_cast %scan3A_70 : i32 to index
      %swap3A_161 = arith.constant 64 : index
      %swap3A_162 = tpu.vector_load %arg11[%swap3A_160, %swap3A_161] {strides = array<i32>} : memref<64x160xf32, #tpu.memory_space<vmem>>, vector<1x16xf32>,
      %swap3A_163 = vector.shape_cast %swap3A_162 : vector<1x16xf32> to vector<16xf32>
      %swap3A_164 = vector.shape_cast %add3A_159 : vector<16xf32> to vector<1x16xf32>
      tpu.vector_store %arg11[%swap3A_160, %swap3A_161], %swap3A_164 {strides = array<i32>} : memref<64x160xf32, #tpu.memory_space<vmem>>, vector<1x16xf32>,
      %get3A_165 = arith.index_cast %scan3A_70 : i32 to index
      %get3A_166 = arith.constant 80 : index
      %get3A_167 = tpu.vector_load %arg11[%get3A_165, %get3A_166] {strides = array<i32>} : memref<64x160xf32, #tpu.memory_space<vmem>>, vector<1x16xf32>,
      %get3A_168 = vector.shape_cast %get3A_167 : vector<1x16xf32> to vector<16xf32>
      %get3A_169 = arith.index_cast %scan3A_70 : i32 to index
      %get3A_170 = arith.constant 80 : index
      %get3A_171 = tpu.vector_load %arg9[%get3A_169, %get3A_170] {strides = array<i32>} : memref<64x256xf32, #tpu.memory_space<vmem>>, vector<1x16xf32>,
      %get3A_172 = vector.shape_cast %get3A_171 : vector<1x16xf32> to vector<16xf32>
      %add3A_173 = arith.addf %get3A_168, %get3A_172 : vector<16xf32>
      %get3A_174 = arith.index_cast %scan3A_70 : i32 to index
      %get3A_175 = arith.constant 80 : index
      %get3A_176 = tpu.vector_load %arg10[%get3A_174, %get3A_175] {strides = array<i32>} : memref<64x256xf32, #tpu.memory_space<vmem>>, vector<1x16xf32>,
      %get3A_177 = vector.shape_cast %get3A_176 : vector<1x16xf32> to vector<16xf32>
      %add3A_178 = arith.addf %add3A_173, %get3A_177 : vector<16xf32>
      %swap3A_179 = arith.index_cast %scan3A_70 : i32 to index
      %swap3A_180 = arith.constant 80 : index
      %swap3A_181 = tpu.vector_load %arg11[%swap3A_179, %swap3A_180] {strides = array<i32>} : memref<64x160xf32, #tpu.memory_space<vmem>>, vector<1x16xf32>,
      %swap3A_182 = vector.shape_cast %swap3A_181 : vector<1x16xf32> to vector<16xf32>
      %swap3A_183 = vector.shape_cast %add3A_178 : vector<16xf32> to vector<1x16xf32>
      tpu.vector_store %arg11[%swap3A_179, %swap3A_180], %swap3A_183 {strides = array<i32>} : memref<64x160xf32, #tpu.memory_space<vmem>>, vector<1x16xf32>,
      %get3A_184 = arith.index_cast %scan3A_70 : i32 to index
      %get3A_185 = arith.constant 96 : index
      %get3A_186 = tpu.vector_load %arg11[%get3A_184, %get3A_185] {strides = array<i32>} : memref<64x160xf32, #tpu.memory_space<vmem>>, vector<1x16xf32>,
      %get3A_187 = vector.shape_cast %get3A_186 : vector<1x16xf32> to vector<16xf32>
      %get3A_188 = arith.index_cast %scan3A_70 : i32 to index
      %get3A_189 = arith.constant 96 : index
      %get3A_190 = tpu.vector_load %arg9[%get3A_188, %get3A_189] {strides = array<i32>} : memref<64x256xf32, #tpu.memory_space<vmem>>, vector<1x16xf32>,
      %get3A_191 = vector.shape_cast %get3A_190 : vector<1x16xf32> to vector<16xf32>
      %add3A_192 = arith.addf %get3A_187, %get3A_191 : vector<16xf32>
      %get3A_193 = arith.index_cast %scan3A_70 : i32 to index
      %get3A_194 = arith.constant 96 : index
      %get3A_195 = tpu.vector_load %arg10[%get3A_193, %get3A_194] {strides = array<i32>} : memref<64x256xf32, #tpu.memory_space<vmem>>, vector<1x16xf32>,
      %get3A_196 = vector.shape_cast %get3A_195 : vector<1x16xf32> to vector<16xf32>
      %add3A_197 = arith.addf %add3A_192, %get3A_196 : vector<16xf32>
      %swap3A_198 = arith.index_cast %scan3A_70 : i32 to index
      %swap3A_199 = arith.constant 96 : index
      %swap3A_200 = tpu.vector_load %arg11[%swap3A_198, %swap3A_199] {strides = array<i32>} : memref<64x160xf32, #tpu.memory_space<vmem>>, vector<1x16xf32>,
      %swap3A_201 = vector.shape_cast %swap3A_200 : vector<1x16xf32> to vector<16xf32>
      %swap3A_202 = vector.shape_cast %add3A_197 : vector<16xf32> to vector<1x16xf32>
      tpu.vector_store %arg11[%swap3A_198, %swap3A_199], %swap3A_202 {strides = array<i32>} : memref<64x160xf32, #tpu.memory_space<vmem>>, vector<1x16xf32>,
      %get3A_203 = arith.index_cast %scan3A_70 : i32 to index
      %get3A_204 = arith.constant 112 : index
      %get3A_205 = tpu.vector_load %arg11[%get3A_203, %get3A_204] {strides = array<i32>} : memref<64x160xf32, #tpu.memory_space<vmem>>, vector<1x16xf32>,
      %get3A_206 = vector.shape_cast %get3A_205 : vector<1x16xf32> to vector<16xf32>
      %get3A_207 = arith.index_cast %scan3A_70 : i32 to index
      %get3A_208 = arith.constant 112 : index
      %get3A_209 = tpu.vector_load %arg9[%get3A_207, %get3A_208] {strides = array<i32>} : memref<64x256xf32, #tpu.memory_space<vmem>>, vector<1x16xf32>,
      %get3A_210 = vector.shape_cast %get3A_209 : vector<1x16xf32> to vector<16xf32>
      %add3A_211 = arith.addf %get3A_206, %get3A_210 : vector<16xf32>
      %get3A_212 = arith.index_cast %scan3A_70 : i32 to index
      %get3A_213 = arith.constant 112 : index
      %get3A_214 = tpu.vector_load %arg10[%get3A_212, %get3A_213] {strides = array<i32>} : memref<64x256xf32, #tpu.memory_space<vmem>>, vector<1x16xf32>,
      %get3A_215 = vector.shape_cast %get3A_214 : vector<1x16xf32> to vector<16xf32>
      %add3A_216 = arith.addf %add3A_211, %get3A_215 : vector<16xf32>
      %swap3A_217 = arith.index_cast %scan3A_70 : i32 to index
      %swap3A_218 = arith.constant 112 : index
      %swap3A_219 = tpu.vector_load %arg11[%swap3A_217, %swap3A_218] {strides = array<i32>} : memref<64x160xf32, #tpu.memory_space<vmem>>, vector<1x16xf32>,
      %swap3A_220 = vector.shape_cast %swap3A_219 : vector<1x16xf32> to vector<16xf32>
      %swap3A_221 = vector.shape_cast %add3A_216 : vector<16xf32> to vector<1x16xf32>
      tpu.vector_store %arg11[%swap3A_217, %swap3A_218], %swap3A_221 {strides = array<i32>} : memref<64x160xf32, #tpu.memory_space<vmem>>, vector<1x16xf32>,
      %get3A_222 = arith.index_cast %scan3A_70 : i32 to index
      %get3A_223 = arith.constant 128 : index
      %get3A_224 = tpu.vector_load %arg11[%get3A_222, %get3A_223] {strides = array<i32>} : memref<64x160xf32, #tpu.memory_space<vmem>>, vector<1x16xf32>,
      %get3A_225 = vector.shape_cast %get3A_224 : vector<1x16xf32> to vector<16xf32>
      %get3A_226 = arith.index_cast %scan3A_70 : i32 to index
      %get3A_227 = arith.constant 128 : index
      %get3A_228 = tpu.vector_load %arg9[%get3A_226, %get3A_227] {strides = array<i32>} : memref<64x256xf32, #tpu.memory_space<vmem>>, vector<1x16xf32>,
      %get3A_229 = vector.shape_cast %get3A_228 : vector<1x16xf32> to vector<16xf32>
      %add3A_230 = arith.addf %get3A_225, %get3A_229 : vector<16xf32>
      %get3A_231 = arith.index_cast %scan3A_70 : i32 to index
      %get3A_232 = arith.constant 128 : index
      %get3A_233 = tpu.vector_load %arg10[%get3A_231, %get3A_232] {strides = array<i32>} : memref<64x256xf32, #tpu.memory_space<vmem>>, vector<1x16xf32>,
      %get3A_234 = vector.shape_cast %get3A_233 : vector<1x16xf32> to vector<16xf32>
      %add3A_235 = arith.addf %add3A_230, %get3A_234 : vector<16xf32>
      %swap3A_236 = arith.index_cast %scan3A_70 : i32 to index
      %swap3A_237 = arith.constant 128 : index
      %swap3A_238 = tpu.vector_load %arg11[%swap3A_236, %swap3A_237] {strides = array<i32>} : memref<64x160xf32, #tpu.memory_space<vmem>>, vector<1x16xf32>,
      %swap3A_239 = vector.shape_cast %swap3A_238 : vector<1x16xf32> to vector<16xf32>
      %swap3A_240 = vector.shape_cast %add3A_235 : vector<16xf32> to vector<1x16xf32>
      tpu.vector_store %arg11[%swap3A_236, %swap3A_237], %swap3A_240 {strides = array<i32>} : memref<64x160xf32, #tpu.memory_space<vmem>>, vector<1x16xf32>,
      %get3A_241 = arith.index_cast %scan3A_70 : i32 to index
      %get3A_242 = arith.constant 144 : index
      %get3A_243 = tpu.vector_load %arg11[%get3A_241, %get3A_242] {strides = array<i32>} : memref<64x160xf32, #tpu.memory_space<vmem>>, vector<1x16xf32>,
      %get3A_244 = vector.shape_cast %get3A_243 : vector<1x16xf32> to vector<16xf32>
      %get3A_245 = arith.index_cast %scan3A_70 : i32 to index
      %get3A_246 = arith.constant 144 : index
      %get3A_247 = tpu.vector_load %arg9[%get3A_245, %get3A_246] {strides = array<i32>} : memref<64x256xf32, #tpu.memory_space<vmem>>, vector<1x16xf32>,
      %get3A_248 = vector.shape_cast %get3A_247 : vector<1x16xf32> to vector<16xf32>
      %add3A_249 = arith.addf %get3A_244, %get3A_248 : vector<16xf32>
      %get3A_250 = arith.index_cast %scan3A_70 : i32 to index
      %get3A_251 = arith.constant 144 : index
      %get3A_252 = tpu.vector_load %arg10[%get3A_250, %get3A_251] {strides = array<i32>} : memref<64x256xf32, #tpu.memory_space<vmem>>, vector<1x16xf32>,
      %get3A_253 = vector.shape_cast %get3A_252 : vector<1x16xf32> to vector<16xf32>
      %add3A_254 = arith.addf %add3A_249, %get3A_253 : vector<16xf32>
      %swap3A_255 = arith.index_cast %scan3A_70 : i32 to index
      %swap3A_256 = arith.constant 144 : index
      %swap3A_257 = tpu.vector_load %arg11[%swap3A_255, %swap3A_256] {strides = array<i32>} : memref<64x160xf32, #tpu.memory_space<vmem>>, vector<1x16xf32>,
      %swap3A_258 = vector.shape_cast %swap3A_257 : vector<1x16xf32> to vector<16xf32>
      %swap3A_259 = vector.shape_cast %add3A_254 : vector<16xf32> to vector<1x16xf32>
      tpu.vector_store %arg11[%swap3A_255, %swap3A_256], %swap3A_259 {strides = array<i32>} : memref<64x160xf32, #tpu.memory_space<vmem>>, vector<1x16xf32>,
      %scan3A_260 = arith.constant 0 : i32
      scf.yield %scan3A_260 : i32
    }
    %scan3A_69 = arith.constant 64 : i32
    "tpu.region"() ({
      %run_scoped3A = tpu.sem_alloc : memref<!tpu.dma_semaphore, #tpu.memory_space<semaphore_mem>>
      %dma_start3A_70 = arith.constant 0 : i32
      %dma_start3A_71 = tpu.memref_slice %arg6[%mul3A_2, %dma_start3A_70] : memref<2048x160xf32, #tpu.memory_space<hbm>> -> memref<64x160xf32, #tpu.memory_space<hbm>>
      %dma_start3A_72 = arith.constant 0 : i32
      %dma_start3A_73 = tpu.memref_slice %arg6[%mul3A_2, %dma_start3A_72] : memref<2048x160xf32, #tpu.memory_space<hbm>> -> memref<64x160xf32, #tpu.memory_space<hbm>>
      tpu.enqueue_dma source(%arg11 : memref<64x160xf32, #tpu.memory_space<vmem>>) target(%dma_start3A_73 : memref<64x160xf32, #tpu.memory_space<hbm>>) target_semaphore(%run_scoped3A : memref<!tpu.dma_semaphore, #tpu.memory_space<semaphore_mem>>)
      %dma_wait3A_74 = arith.constant 0 : i32
      %dma_wait3A_75 = tpu.memref_slice %arg6[%mul3A_2, %dma_wait3A_74] : memref<2048x160xf32, #tpu.memory_space<hbm>> -> memref<64x160xf32, #tpu.memory_space<hbm>>
      %dma_wait3A_76 = arith.constant 0 : i32
      %dma_wait3A_77 = tpu.memref_slice %arg6[%mul3A_2, %dma_wait3A_76] : memref<2048x160xf32, #tpu.memory_space<hbm>> -> memref<64x160xf32, #tpu.memory_space<hbm>>
      tpu.wait_dma2 semaphore(%run_scoped3A : memref<!tpu.dma_semaphore, #tpu.memory_space<semaphore_mem>>) src(%arg11 : memref<64x160xf32, #tpu.memory_space<vmem>>) dst(%dma_wait3A_77 : memref<64x160xf32, #tpu.memory_space<hbm>>)
      tpu.yield
    }) : () -> ()
    return
  }
}

#map = affine_map<(d0, d1) -> (0, 0)>
#map1 = affine_map<(d0, d1) -> (0, 0, 0)>
module attributes {stable_mosaic.version = 14 : i64} {
  func.func @_agg_body(%arg0: i32, %arg1: i32, %arg2: memref<4096x256xf32, #tpu.memory_space<hbm>>, %arg3: memref<2x1024x160xf32, #tpu.memory_space<hbm>>, %arg4: memref<2x1x1024xi32, #tpu.memory_space<hbm>>, %arg5: memref<2x1x1024xi32, #tpu.memory_space<hbm>>, %arg6: memref<2048x160xf32, #tpu.memory_space<hbm>>, %arg7: memref<64xi32, #tpu.memory_space<vmem>>, %arg8: memref<64xi32, #tpu.memory_space<vmem>>, %arg9: memref<64x256xf32, #tpu.memory_space<vmem>>, %arg10: memref<64x256xf32, #tpu.memory_space<vmem>>, %arg11: memref<64x160xf32, #tpu.memory_space<vmem>>, %arg12: memref<!tpu.dma_semaphore, #tpu.memory_space<semaphore_mem>>, %arg13: memref<!tpu.dma_semaphore, #tpu.memory_space<semaphore_mem>>, %arg14: memref<!tpu.dma_semaphore, #tpu.memory_space<semaphore_mem>>) attributes {dimension_semantics = [#tpu.dimension_semantics<core_parallel>, #tpu.dimension_semantics<subcore_parallel>], iteration_bounds = array<i64: 2, 16>, scalar_prefetch = 0 : i64, scratch_operands = 8 : i64, tpu.core_type = #tpu.core_type<sc_vector_subcore>, window_params = [{transform_indices = #map}, {transform_indices = #map1}, {transform_indices = #map1}, {transform_indices = #map1}, {transform_indices = #map}]} {
    %mul3A = arith.constant 2 : i32
    %mul3A_0 = arith.muli %arg1, %mul3A : i32
    %add3A = arith.addi %mul3A_0, %arg0 : i32
    %mul3A_1 = arith.constant 64 : i32
    %mul3A_2 = arith.muli %add3A, %mul3A_1 : i32
    %jit3A = arith.constant 16 : i32
    %div3A = arith.divsi %add3A, %jit3A : i32
    %sign3A = arith.constant 0 : i32
    %sign3A_3 = arith.cmpi sgt, %add3A, %sign3A : i32
    %sign3A_4 = arith.extui %sign3A_3 : i1 to i32
    %sign3A_5 = arith.constant 0 : i32
    %sign3A_6 = arith.cmpi slt, %add3A, %sign3A_5 : i32
    %sign3A_7 = arith.extui %sign3A_6 : i1 to i32
    %sign3A_8 = arith.subi %sign3A_4, %sign3A_7 : i32
    %sign3A_9 = arith.constant 0 : i32
    %sign3A_10 = arith.cmpi sgt, %jit3A, %sign3A_9 : i32
    %sign3A_11 = arith.extui %sign3A_10 : i1 to i32
    %sign3A_12 = arith.constant 0 : i32
    %sign3A_13 = arith.cmpi slt, %jit3A, %sign3A_12 : i32
    %sign3A_14 = arith.extui %sign3A_13 : i1 to i32
    %sign3A_15 = arith.subi %sign3A_11, %sign3A_14 : i32
    %ne3A = arith.cmpi ne, %sign3A_8, %sign3A_15 : i32
    %rem3A = arith.remsi %add3A, %jit3A : i32
    %ne3A_16 = arith.constant 0 : i32
    %ne3A_17 = arith.cmpi ne, %rem3A, %ne3A_16 : i32
    %and3A = arith.andi %ne3A, %ne3A_17 : i1
    %sub3A = arith.constant 1 : i32
    %sub3A_18 = arith.subi %div3A, %sub3A : i32
    %select_n3A = arith.select %and3A, %sub3A_18, %div3A : i32
    %mul3A_19 = arith.constant 1024 : i32
    %mul3A_20 = arith.muli %select_n3A, %mul3A_19 : i32
    %sub3A_21 = arith.subi %mul3A_2, %mul3A_20 : i32
    %dma_start3A = arith.constant 0 : i32
    %dma_start3A_22 = tpu.memref_slice %arg4[%select_n3A, %dma_start3A, %sub3A_21] : memref<2x1x1024xi32, #tpu.memory_space<hbm>> -> memref<1x1x64xi32, #tpu.memory_space<hbm>>
    %dma_start3A_23 = tpu.memref_squeeze %dma_start3A_22 : memref<1x1x64xi32, #tpu.memory_space<hbm>> -> memref<64xi32, #tpu.memory_space<hbm>>
    %dma_start3A_24 = tpu.memref_slice %arg4[%select_n3A, %dma_start3A, %sub3A_21] : memref<2x1x1024xi32, #tpu.memory_space<hbm>> -> memref<1x1x64xi32, #tpu.memory_space<hbm>>
    %dma_start3A_25 = tpu.memref_squeeze %dma_start3A_24 : memref<1x1x64xi32, #tpu.memory_space<hbm>> -> memref<64xi32, #tpu.memory_space<hbm>>
    tpu.enqueue_dma source(%dma_start3A_25 : memref<64xi32, #tpu.memory_space<hbm>>) target(%arg7 : memref<64xi32, #tpu.memory_space<vmem>>) target_semaphore(%arg12 : memref<!tpu.dma_semaphore, #tpu.memory_space<semaphore_mem>>)
    %dma_start3A_26 = arith.constant 0 : i32
    %dma_start3A_27 = tpu.memref_slice %arg5[%select_n3A, %dma_start3A_26, %sub3A_21] : memref<2x1x1024xi32, #tpu.memory_space<hbm>> -> memref<1x1x64xi32, #tpu.memory_space<hbm>>
    %dma_start3A_28 = tpu.memref_squeeze %dma_start3A_27 : memref<1x1x64xi32, #tpu.memory_space<hbm>> -> memref<64xi32, #tpu.memory_space<hbm>>
    %dma_start3A_29 = tpu.memref_slice %arg5[%select_n3A, %dma_start3A_26, %sub3A_21] : memref<2x1x1024xi32, #tpu.memory_space<hbm>> -> memref<1x1x64xi32, #tpu.memory_space<hbm>>
    %dma_start3A_30 = tpu.memref_squeeze %dma_start3A_29 : memref<1x1x64xi32, #tpu.memory_space<hbm>> -> memref<64xi32, #tpu.memory_space<hbm>>
    tpu.enqueue_dma source(%dma_start3A_30 : memref<64xi32, #tpu.memory_space<hbm>>) target(%arg8 : memref<64xi32, #tpu.memory_space<vmem>>) target_semaphore(%arg13 : memref<!tpu.dma_semaphore, #tpu.memory_space<semaphore_mem>>)
    %dma_start3A_31 = arith.constant 0 : i32
    %dma_start3A_32 = tpu.memref_slice %arg3[%select_n3A, %sub3A_21, %dma_start3A_31] : memref<2x1024x160xf32, #tpu.memory_space<hbm>> -> memref<1x64x160xf32, #tpu.memory_space<hbm>>
    %dma_start3A_33 = tpu.memref_squeeze %dma_start3A_32 : memref<1x64x160xf32, #tpu.memory_space<hbm>> -> memref<64x160xf32, #tpu.memory_space<hbm>>
    %dma_start3A_34 = arith.constant 0 : i32
    %dma_start3A_35 = tpu.memref_slice %arg3[%select_n3A, %sub3A_21, %dma_start3A_34] : memref<2x1024x160xf32, #tpu.memory_space<hbm>> -> memref<1x64x160xf32, #tpu.memory_space<hbm>>
    %dma_start3A_36 = tpu.memref_squeeze %dma_start3A_35 : memref<1x64x160xf32, #tpu.memory_space<hbm>> -> memref<64x160xf32, #tpu.memory_space<hbm>>
    tpu.enqueue_dma source(%dma_start3A_36 : memref<64x160xf32, #tpu.memory_space<hbm>>) target(%arg11 : memref<64x160xf32, #tpu.memory_space<vmem>>) target_semaphore(%arg14 : memref<!tpu.dma_semaphore, #tpu.memory_space<semaphore_mem>>)
    %dma_wait3A = arith.constant 0 : i32
    %dma_wait3A_37 = tpu.memref_slice %arg4[%select_n3A, %dma_wait3A, %sub3A_21] : memref<2x1x1024xi32, #tpu.memory_space<hbm>> -> memref<1x1x64xi32, #tpu.memory_space<hbm>>
    %dma_wait3A_38 = tpu.memref_squeeze %dma_wait3A_37 : memref<1x1x64xi32, #tpu.memory_space<hbm>> -> memref<64xi32, #tpu.memory_space<hbm>>
    %dma_wait3A_39 = tpu.memref_slice %arg4[%select_n3A, %dma_wait3A, %sub3A_21] : memref<2x1x1024xi32, #tpu.memory_space<hbm>> -> memref<1x1x64xi32, #tpu.memory_space<hbm>>
    %dma_wait3A_40 = tpu.memref_squeeze %dma_wait3A_39 : memref<1x1x64xi32, #tpu.memory_space<hbm>> -> memref<64xi32, #tpu.memory_space<hbm>>
    tpu.wait_dma2 semaphore(%arg12 : memref<!tpu.dma_semaphore, #tpu.memory_space<semaphore_mem>>) src(%dma_wait3A_40 : memref<64xi32, #tpu.memory_space<hbm>>) dst(%arg7 : memref<64xi32, #tpu.memory_space<vmem>>)
    %dma_wait3A_41 = arith.constant 0 : i32
    %dma_wait3A_42 = tpu.memref_slice %arg5[%select_n3A, %dma_wait3A_41, %sub3A_21] : memref<2x1x1024xi32, #tpu.memory_space<hbm>> -> memref<1x1x64xi32, #tpu.memory_space<hbm>>
    %dma_wait3A_43 = tpu.memref_squeeze %dma_wait3A_42 : memref<1x1x64xi32, #tpu.memory_space<hbm>> -> memref<64xi32, #tpu.memory_space<hbm>>
    %dma_wait3A_44 = tpu.memref_slice %arg5[%select_n3A, %dma_wait3A_41, %sub3A_21] : memref<2x1x1024xi32, #tpu.memory_space<hbm>> -> memref<1x1x64xi32, #tpu.memory_space<hbm>>
    %dma_wait3A_45 = tpu.memref_squeeze %dma_wait3A_44 : memref<1x1x64xi32, #tpu.memory_space<hbm>> -> memref<64xi32, #tpu.memory_space<hbm>>
    tpu.wait_dma2 semaphore(%arg13 : memref<!tpu.dma_semaphore, #tpu.memory_space<semaphore_mem>>) src(%dma_wait3A_45 : memref<64xi32, #tpu.memory_space<hbm>>) dst(%arg8 : memref<64xi32, #tpu.memory_space<vmem>>)
    %dma_start3A_46 = arith.constant 0 : i32
    %dma_start3A_47 = arith.constant 0 : i32
    %dma_start3A_48 = tpu.memref_slice %arg2[%dma_start3A_46, %dma_start3A_47] : memref<4096x256xf32, #tpu.memory_space<hbm>> -> memref<4096x256xf32, #tpu.memory_space<hbm>>
    tpu.enqueue_indirect_dma source(%dma_start3A_48 : memref<4096x256xf32, #tpu.memory_space<hbm>>) target(%arg9 : memref<64x256xf32, #tpu.memory_space<vmem>>) offsets(%arg7 : memref<64xi32, #tpu.memory_space<vmem>>) semaphore(%arg12 : memref<!tpu.dma_semaphore, #tpu.memory_space<semaphore_mem>>)
    %dma_start3A_49 = arith.constant 0 : i32
    %dma_start3A_50 = arith.constant 0 : i32
    %dma_start3A_51 = tpu.memref_slice %arg2[%dma_start3A_49, %dma_start3A_50] : memref<4096x256xf32, #tpu.memory_space<hbm>> -> memref<4096x256xf32, #tpu.memory_space<hbm>>
    tpu.enqueue_indirect_dma source(%dma_start3A_51 : memref<4096x256xf32, #tpu.memory_space<hbm>>) target(%arg10 : memref<64x256xf32, #tpu.memory_space<vmem>>) offsets(%arg8 : memref<64xi32, #tpu.memory_space<vmem>>) semaphore(%arg13 : memref<!tpu.dma_semaphore, #tpu.memory_space<semaphore_mem>>)
    %dma_wait3A_52 = arith.constant 0 : i32
    %dma_wait3A_53 = arith.constant 0 : i32
    %dma_wait3A_54 = tpu.memref_slice %arg2[%dma_wait3A_52, %dma_wait3A_53] : memref<4096x256xf32, #tpu.memory_space<hbm>> -> memref<4096x256xf32, #tpu.memory_space<hbm>>
    tpu.wait_indirect_dma semaphore(%arg12 : memref<!tpu.dma_semaphore, #tpu.memory_space<semaphore_mem>>) src(%dma_wait3A_54 : memref<4096x256xf32, #tpu.memory_space<hbm>>) dst(%arg9 : memref<64x256xf32, #tpu.memory_space<vmem>>)
    %dma_wait3A_55 = arith.constant 0 : i32
    %dma_wait3A_56 = arith.constant 0 : i32
    %dma_wait3A_57 = tpu.memref_slice %arg2[%dma_wait3A_55, %dma_wait3A_56] : memref<4096x256xf32, #tpu.memory_space<hbm>> -> memref<4096x256xf32, #tpu.memory_space<hbm>>
    tpu.wait_indirect_dma semaphore(%arg13 : memref<!tpu.dma_semaphore, #tpu.memory_space<semaphore_mem>>) src(%dma_wait3A_57 : memref<4096x256xf32, #tpu.memory_space<hbm>>) dst(%arg10 : memref<64x256xf32, #tpu.memory_space<vmem>>)
    %dma_wait3A_58 = arith.constant 0 : i32
    %dma_wait3A_59 = tpu.memref_slice %arg3[%select_n3A, %sub3A_21, %dma_wait3A_58] : memref<2x1024x160xf32, #tpu.memory_space<hbm>> -> memref<1x64x160xf32, #tpu.memory_space<hbm>>
    %dma_wait3A_60 = tpu.memref_squeeze %dma_wait3A_59 : memref<1x64x160xf32, #tpu.memory_space<hbm>> -> memref<64x160xf32, #tpu.memory_space<hbm>>
    %dma_wait3A_61 = arith.constant 0 : i32
    %dma_wait3A_62 = tpu.memref_slice %arg3[%select_n3A, %sub3A_21, %dma_wait3A_61] : memref<2x1024x160xf32, #tpu.memory_space<hbm>> -> memref<1x64x160xf32, #tpu.memory_space<hbm>>
    %dma_wait3A_63 = tpu.memref_squeeze %dma_wait3A_62 : memref<1x64x160xf32, #tpu.memory_space<hbm>> -> memref<64x160xf32, #tpu.memory_space<hbm>>
    tpu.wait_dma2 semaphore(%arg14 : memref<!tpu.dma_semaphore, #tpu.memory_space<semaphore_mem>>) src(%dma_wait3A_63 : memref<64x160xf32, #tpu.memory_space<hbm>>) dst(%arg11 : memref<64x160xf32, #tpu.memory_space<vmem>>)
    %scan3A = arith.constant 0 : i32
    %scan3A_64 = arith.constant 0 : i32
    %scan3A_65 = arith.constant 64 : i32
    %scan3A_66 = arith.addi %scan3A_64, %scan3A_65 : i32
    %scan3A_67 = arith.constant 1 : i32
    %scan3A_68 = scf.for %scan3A_70 = %scan3A_64 to %scan3A_66 step %scan3A_67 iter_args(%scan3A_71 = %scan3A) -> (i32)  : i32 {
      %get3A = arith.index_cast %scan3A_70 : i32 to index
      %get3A_72 = arith.constant 0 : index
      %get3A_73 = tpu.vector_load %arg11[%get3A, %get3A_72] {strides = array<i32>} : memref<64x160xf32, #tpu.memory_space<vmem>>, vector<1x16xf32>,
      %get3A_74 = vector.shape_cast %get3A_73 : vector<1x16xf32> to vector<16xf32>
      %get3A_75 = arith.index_cast %scan3A_70 : i32 to index
      %get3A_76 = arith.constant 0 : index
      %get3A_77 = tpu.vector_load %arg9[%get3A_75, %get3A_76] {strides = array<i32>} : memref<64x256xf32, #tpu.memory_space<vmem>>, vector<1x16xf32>,
      %get3A_78 = vector.shape_cast %get3A_77 : vector<1x16xf32> to vector<16xf32>
      %add3A_79 = arith.addf %get3A_74, %get3A_78 : vector<16xf32>
      %get3A_80 = arith.index_cast %scan3A_70 : i32 to index
      %get3A_81 = arith.constant 0 : index
      %get3A_82 = tpu.vector_load %arg10[%get3A_80, %get3A_81] {strides = array<i32>} : memref<64x256xf32, #tpu.memory_space<vmem>>, vector<1x16xf32>,
      %get3A_83 = vector.shape_cast %get3A_82 : vector<1x16xf32> to vector<16xf32>
      %add3A_84 = arith.addf %add3A_79, %get3A_83 : vector<16xf32>
      %swap3A = arith.index_cast %scan3A_70 : i32 to index
      %swap3A_85 = arith.constant 0 : index
      %swap3A_86 = tpu.vector_load %arg11[%swap3A, %swap3A_85] {strides = array<i32>} : memref<64x160xf32, #tpu.memory_space<vmem>>, vector<1x16xf32>,
      %swap3A_87 = vector.shape_cast %swap3A_86 : vector<1x16xf32> to vector<16xf32>
      %swap3A_88 = vector.shape_cast %add3A_84 : vector<16xf32> to vector<1x16xf32>
      tpu.vector_store %arg11[%swap3A, %swap3A_85], %swap3A_88 {strides = array<i32>} : memref<64x160xf32, #tpu.memory_space<vmem>>, vector<1x16xf32>,
      %get3A_89 = arith.index_cast %scan3A_70 : i32 to index
      %get3A_90 = arith.constant 16 : index
      %get3A_91 = tpu.vector_load %arg11[%get3A_89, %get3A_90] {strides = array<i32>} : memref<64x160xf32, #tpu.memory_space<vmem>>, vector<1x16xf32>,
      %get3A_92 = vector.shape_cast %get3A_91 : vector<1x16xf32> to vector<16xf32>
      %get3A_93 = arith.index_cast %scan3A_70 : i32 to index
      %get3A_94 = arith.constant 16 : index
      %get3A_95 = tpu.vector_load %arg9[%get3A_93, %get3A_94] {strides = array<i32>} : memref<64x256xf32, #tpu.memory_space<vmem>>, vector<1x16xf32>,
      %get3A_96 = vector.shape_cast %get3A_95 : vector<1x16xf32> to vector<16xf32>
      %add3A_97 = arith.addf %get3A_92, %get3A_96 : vector<16xf32>
      %get3A_98 = arith.index_cast %scan3A_70 : i32 to index
      %get3A_99 = arith.constant 16 : index
      %get3A_100 = tpu.vector_load %arg10[%get3A_98, %get3A_99] {strides = array<i32>} : memref<64x256xf32, #tpu.memory_space<vmem>>, vector<1x16xf32>,
      %get3A_101 = vector.shape_cast %get3A_100 : vector<1x16xf32> to vector<16xf32>
      %add3A_102 = arith.addf %add3A_97, %get3A_101 : vector<16xf32>
      %swap3A_103 = arith.index_cast %scan3A_70 : i32 to index
      %swap3A_104 = arith.constant 16 : index
      %swap3A_105 = tpu.vector_load %arg11[%swap3A_103, %swap3A_104] {strides = array<i32>} : memref<64x160xf32, #tpu.memory_space<vmem>>, vector<1x16xf32>,
      %swap3A_106 = vector.shape_cast %swap3A_105 : vector<1x16xf32> to vector<16xf32>
      %swap3A_107 = vector.shape_cast %add3A_102 : vector<16xf32> to vector<1x16xf32>
      tpu.vector_store %arg11[%swap3A_103, %swap3A_104], %swap3A_107 {strides = array<i32>} : memref<64x160xf32, #tpu.memory_space<vmem>>, vector<1x16xf32>,
      %get3A_108 = arith.index_cast %scan3A_70 : i32 to index
      %get3A_109 = arith.constant 32 : index
      %get3A_110 = tpu.vector_load %arg11[%get3A_108, %get3A_109] {strides = array<i32>} : memref<64x160xf32, #tpu.memory_space<vmem>>, vector<1x16xf32>,
      %get3A_111 = vector.shape_cast %get3A_110 : vector<1x16xf32> to vector<16xf32>
      %get3A_112 = arith.index_cast %scan3A_70 : i32 to index
      %get3A_113 = arith.constant 32 : index
      %get3A_114 = tpu.vector_load %arg9[%get3A_112, %get3A_113] {strides = array<i32>} : memref<64x256xf32, #tpu.memory_space<vmem>>, vector<1x16xf32>,
      %get3A_115 = vector.shape_cast %get3A_114 : vector<1x16xf32> to vector<16xf32>
      %add3A_116 = arith.addf %get3A_111, %get3A_115 : vector<16xf32>
      %get3A_117 = arith.index_cast %scan3A_70 : i32 to index
      %get3A_118 = arith.constant 32 : index
      %get3A_119 = tpu.vector_load %arg10[%get3A_117, %get3A_118] {strides = array<i32>} : memref<64x256xf32, #tpu.memory_space<vmem>>, vector<1x16xf32>,
      %get3A_120 = vector.shape_cast %get3A_119 : vector<1x16xf32> to vector<16xf32>
      %add3A_121 = arith.addf %add3A_116, %get3A_120 : vector<16xf32>
      %swap3A_122 = arith.index_cast %scan3A_70 : i32 to index
      %swap3A_123 = arith.constant 32 : index
      %swap3A_124 = tpu.vector_load %arg11[%swap3A_122, %swap3A_123] {strides = array<i32>} : memref<64x160xf32, #tpu.memory_space<vmem>>, vector<1x16xf32>,
      %swap3A_125 = vector.shape_cast %swap3A_124 : vector<1x16xf32> to vector<16xf32>
      %swap3A_126 = vector.shape_cast %add3A_121 : vector<16xf32> to vector<1x16xf32>
      tpu.vector_store %arg11[%swap3A_122, %swap3A_123], %swap3A_126 {strides = array<i32>} : memref<64x160xf32, #tpu.memory_space<vmem>>, vector<1x16xf32>,
      %get3A_127 = arith.index_cast %scan3A_70 : i32 to index
      %get3A_128 = arith.constant 48 : index
      %get3A_129 = tpu.vector_load %arg11[%get3A_127, %get3A_128] {strides = array<i32>} : memref<64x160xf32, #tpu.memory_space<vmem>>, vector<1x16xf32>,
      %get3A_130 = vector.shape_cast %get3A_129 : vector<1x16xf32> to vector<16xf32>
      %get3A_131 = arith.index_cast %scan3A_70 : i32 to index
      %get3A_132 = arith.constant 48 : index
      %get3A_133 = tpu.vector_load %arg9[%get3A_131, %get3A_132] {strides = array<i32>} : memref<64x256xf32, #tpu.memory_space<vmem>>, vector<1x16xf32>,
      %get3A_134 = vector.shape_cast %get3A_133 : vector<1x16xf32> to vector<16xf32>
      %add3A_135 = arith.addf %get3A_130, %get3A_134 : vector<16xf32>
      %get3A_136 = arith.index_cast %scan3A_70 : i32 to index
      %get3A_137 = arith.constant 48 : index
      %get3A_138 = tpu.vector_load %arg10[%get3A_136, %get3A_137] {strides = array<i32>} : memref<64x256xf32, #tpu.memory_space<vmem>>, vector<1x16xf32>,
      %get3A_139 = vector.shape_cast %get3A_138 : vector<1x16xf32> to vector<16xf32>
      %add3A_140 = arith.addf %add3A_135, %get3A_139 : vector<16xf32>
      %swap3A_141 = arith.index_cast %scan3A_70 : i32 to index
      %swap3A_142 = arith.constant 48 : index
      %swap3A_143 = tpu.vector_load %arg11[%swap3A_141, %swap3A_142] {strides = array<i32>} : memref<64x160xf32, #tpu.memory_space<vmem>>, vector<1x16xf32>,
      %swap3A_144 = vector.shape_cast %swap3A_143 : vector<1x16xf32> to vector<16xf32>
      %swap3A_145 = vector.shape_cast %add3A_140 : vector<16xf32> to vector<1x16xf32>
      tpu.vector_store %arg11[%swap3A_141, %swap3A_142], %swap3A_145 {strides = array<i32>} : memref<64x160xf32, #tpu.memory_space<vmem>>, vector<1x16xf32>,
      %get3A_146 = arith.index_cast %scan3A_70 : i32 to index
      %get3A_147 = arith.constant 64 : index
      %get3A_148 = tpu.vector_load %arg11[%get3A_146, %get3A_147] {strides = array<i32>} : memref<64x160xf32, #tpu.memory_space<vmem>>, vector<1x16xf32>,
      %get3A_149 = vector.shape_cast %get3A_148 : vector<1x16xf32> to vector<16xf32>
      %get3A_150 = arith.index_cast %scan3A_70 : i32 to index
      %get3A_151 = arith.constant 64 : index
      %get3A_152 = tpu.vector_load %arg9[%get3A_150, %get3A_151] {strides = array<i32>} : memref<64x256xf32, #tpu.memory_space<vmem>>, vector<1x16xf32>,
      %get3A_153 = vector.shape_cast %get3A_152 : vector<1x16xf32> to vector<16xf32>
      %add3A_154 = arith.addf %get3A_149, %get3A_153 : vector<16xf32>
      %get3A_155 = arith.index_cast %scan3A_70 : i32 to index
      %get3A_156 = arith.constant 64 : index
      %get3A_157 = tpu.vector_load %arg10[%get3A_155, %get3A_156] {strides = array<i32>} : memref<64x256xf32, #tpu.memory_space<vmem>>, vector<1x16xf32>,
      %get3A_158 = vector.shape_cast %get3A_157 : vector<1x16xf32> to vector<16xf32>
      %add3A_159 = arith.addf %add3A_154, %get3A_158 : vector<16xf32>
      %swap3A_160 = arith.index_cast %scan3A_70 : i32 to index
      %swap3A_161 = arith.constant 64 : index
      %swap3A_162 = tpu.vector_load %arg11[%swap3A_160, %swap3A_161] {strides = array<i32>} : memref<64x160xf32, #tpu.memory_space<vmem>>, vector<1x16xf32>,
      %swap3A_163 = vector.shape_cast %swap3A_162 : vector<1x16xf32> to vector<16xf32>
      %swap3A_164 = vector.shape_cast %add3A_159 : vector<16xf32> to vector<1x16xf32>
      tpu.vector_store %arg11[%swap3A_160, %swap3A_161], %swap3A_164 {strides = array<i32>} : memref<64x160xf32, #tpu.memory_space<vmem>>, vector<1x16xf32>,
      %get3A_165 = arith.index_cast %scan3A_70 : i32 to index
      %get3A_166 = arith.constant 80 : index
      %get3A_167 = tpu.vector_load %arg11[%get3A_165, %get3A_166] {strides = array<i32>} : memref<64x160xf32, #tpu.memory_space<vmem>>, vector<1x16xf32>,
      %get3A_168 = vector.shape_cast %get3A_167 : vector<1x16xf32> to vector<16xf32>
      %get3A_169 = arith.index_cast %scan3A_70 : i32 to index
      %get3A_170 = arith.constant 80 : index
      %get3A_171 = tpu.vector_load %arg9[%get3A_169, %get3A_170] {strides = array<i32>} : memref<64x256xf32, #tpu.memory_space<vmem>>, vector<1x16xf32>,
      %get3A_172 = vector.shape_cast %get3A_171 : vector<1x16xf32> to vector<16xf32>
      %add3A_173 = arith.addf %get3A_168, %get3A_172 : vector<16xf32>
      %get3A_174 = arith.index_cast %scan3A_70 : i32 to index
      %get3A_175 = arith.constant 80 : index
      %get3A_176 = tpu.vector_load %arg10[%get3A_174, %get3A_175] {strides = array<i32>} : memref<64x256xf32, #tpu.memory_space<vmem>>, vector<1x16xf32>,
      %get3A_177 = vector.shape_cast %get3A_176 : vector<1x16xf32> to vector<16xf32>
      %add3A_178 = arith.addf %add3A_173, %get3A_177 : vector<16xf32>
      %swap3A_179 = arith.index_cast %scan3A_70 : i32 to index
      %swap3A_180 = arith.constant 80 : index
      %swap3A_181 = tpu.vector_load %arg11[%swap3A_179, %swap3A_180] {strides = array<i32>} : memref<64x160xf32, #tpu.memory_space<vmem>>, vector<1x16xf32>,
      %swap3A_182 = vector.shape_cast %swap3A_181 : vector<1x16xf32> to vector<16xf32>
      %swap3A_183 = vector.shape_cast %add3A_178 : vector<16xf32> to vector<1x16xf32>
      tpu.vector_store %arg11[%swap3A_179, %swap3A_180], %swap3A_183 {strides = array<i32>} : memref<64x160xf32, #tpu.memory_space<vmem>>, vector<1x16xf32>,
      %get3A_184 = arith.index_cast %scan3A_70 : i32 to index
      %get3A_185 = arith.constant 96 : index
      %get3A_186 = tpu.vector_load %arg11[%get3A_184, %get3A_185] {strides = array<i32>} : memref<64x160xf32, #tpu.memory_space<vmem>>, vector<1x16xf32>,
      %get3A_187 = vector.shape_cast %get3A_186 : vector<1x16xf32> to vector<16xf32>
      %get3A_188 = arith.index_cast %scan3A_70 : i32 to index
      %get3A_189 = arith.constant 96 : index
      %get3A_190 = tpu.vector_load %arg9[%get3A_188, %get3A_189] {strides = array<i32>} : memref<64x256xf32, #tpu.memory_space<vmem>>, vector<1x16xf32>,
      %get3A_191 = vector.shape_cast %get3A_190 : vector<1x16xf32> to vector<16xf32>
      %add3A_192 = arith.addf %get3A_187, %get3A_191 : vector<16xf32>
      %get3A_193 = arith.index_cast %scan3A_70 : i32 to index
      %get3A_194 = arith.constant 96 : index
      %get3A_195 = tpu.vector_load %arg10[%get3A_193, %get3A_194] {strides = array<i32>} : memref<64x256xf32, #tpu.memory_space<vmem>>, vector<1x16xf32>,
      %get3A_196 = vector.shape_cast %get3A_195 : vector<1x16xf32> to vector<16xf32>
      %add3A_197 = arith.addf %add3A_192, %get3A_196 : vector<16xf32>
      %swap3A_198 = arith.index_cast %scan3A_70 : i32 to index
      %swap3A_199 = arith.constant 96 : index
      %swap3A_200 = tpu.vector_load %arg11[%swap3A_198, %swap3A_199] {strides = array<i32>} : memref<64x160xf32, #tpu.memory_space<vmem>>, vector<1x16xf32>,
      %swap3A_201 = vector.shape_cast %swap3A_200 : vector<1x16xf32> to vector<16xf32>
      %swap3A_202 = vector.shape_cast %add3A_197 : vector<16xf32> to vector<1x16xf32>
      tpu.vector_store %arg11[%swap3A_198, %swap3A_199], %swap3A_202 {strides = array<i32>} : memref<64x160xf32, #tpu.memory_space<vmem>>, vector<1x16xf32>,
      %get3A_203 = arith.index_cast %scan3A_70 : i32 to index
      %get3A_204 = arith.constant 112 : index
      %get3A_205 = tpu.vector_load %arg11[%get3A_203, %get3A_204] {strides = array<i32>} : memref<64x160xf32, #tpu.memory_space<vmem>>, vector<1x16xf32>,
      %get3A_206 = vector.shape_cast %get3A_205 : vector<1x16xf32> to vector<16xf32>
      %get3A_207 = arith.index_cast %scan3A_70 : i32 to index
      %get3A_208 = arith.constant 112 : index
      %get3A_209 = tpu.vector_load %arg9[%get3A_207, %get3A_208] {strides = array<i32>} : memref<64x256xf32, #tpu.memory_space<vmem>>, vector<1x16xf32>,
      %get3A_210 = vector.shape_cast %get3A_209 : vector<1x16xf32> to vector<16xf32>
      %add3A_211 = arith.addf %get3A_206, %get3A_210 : vector<16xf32>
      %get3A_212 = arith.index_cast %scan3A_70 : i32 to index
      %get3A_213 = arith.constant 112 : index
      %get3A_214 = tpu.vector_load %arg10[%get3A_212, %get3A_213] {strides = array<i32>} : memref<64x256xf32, #tpu.memory_space<vmem>>, vector<1x16xf32>,
      %get3A_215 = vector.shape_cast %get3A_214 : vector<1x16xf32> to vector<16xf32>
      %add3A_216 = arith.addf %add3A_211, %get3A_215 : vector<16xf32>
      %swap3A_217 = arith.index_cast %scan3A_70 : i32 to index
      %swap3A_218 = arith.constant 112 : index
      %swap3A_219 = tpu.vector_load %arg11[%swap3A_217, %swap3A_218] {strides = array<i32>} : memref<64x160xf32, #tpu.memory_space<vmem>>, vector<1x16xf32>,
      %swap3A_220 = vector.shape_cast %swap3A_219 : vector<1x16xf32> to vector<16xf32>
      %swap3A_221 = vector.shape_cast %add3A_216 : vector<16xf32> to vector<1x16xf32>
      tpu.vector_store %arg11[%swap3A_217, %swap3A_218], %swap3A_221 {strides = array<i32>} : memref<64x160xf32, #tpu.memory_space<vmem>>, vector<1x16xf32>,
      %get3A_222 = arith.index_cast %scan3A_70 : i32 to index
      %get3A_223 = arith.constant 128 : index
      %get3A_224 = tpu.vector_load %arg11[%get3A_222, %get3A_223] {strides = array<i32>} : memref<64x160xf32, #tpu.memory_space<vmem>>, vector<1x16xf32>,
      %get3A_225 = vector.shape_cast %get3A_224 : vector<1x16xf32> to vector<16xf32>
      %get3A_226 = arith.index_cast %scan3A_70 : i32 to index
      %get3A_227 = arith.constant 128 : index
      %get3A_228 = tpu.vector_load %arg9[%get3A_226, %get3A_227] {strides = array<i32>} : memref<64x256xf32, #tpu.memory_space<vmem>>, vector<1x16xf32>,
      %get3A_229 = vector.shape_cast %get3A_228 : vector<1x16xf32> to vector<16xf32>
      %add3A_230 = arith.addf %get3A_225, %get3A_229 : vector<16xf32>
      %get3A_231 = arith.index_cast %scan3A_70 : i32 to index
      %get3A_232 = arith.constant 128 : index
      %get3A_233 = tpu.vector_load %arg10[%get3A_231, %get3A_232] {strides = array<i32>} : memref<64x256xf32, #tpu.memory_space<vmem>>, vector<1x16xf32>,
      %get3A_234 = vector.shape_cast %get3A_233 : vector<1x16xf32> to vector<16xf32>
      %add3A_235 = arith.addf %add3A_230, %get3A_234 : vector<16xf32>
      %swap3A_236 = arith.index_cast %scan3A_70 : i32 to index
      %swap3A_237 = arith.constant 128 : index
      %swap3A_238 = tpu.vector_load %arg11[%swap3A_236, %swap3A_237] {strides = array<i32>} : memref<64x160xf32, #tpu.memory_space<vmem>>, vector<1x16xf32>,
      %swap3A_239 = vector.shape_cast %swap3A_238 : vector<1x16xf32> to vector<16xf32>
      %swap3A_240 = vector.shape_cast %add3A_235 : vector<16xf32> to vector<1x16xf32>
      tpu.vector_store %arg11[%swap3A_236, %swap3A_237], %swap3A_240 {strides = array<i32>} : memref<64x160xf32, #tpu.memory_space<vmem>>, vector<1x16xf32>,
      %get3A_241 = arith.index_cast %scan3A_70 : i32 to index
      %get3A_242 = arith.constant 144 : index
      %get3A_243 = tpu.vector_load %arg11[%get3A_241, %get3A_242] {strides = array<i32>} : memref<64x160xf32, #tpu.memory_space<vmem>>, vector<1x16xf32>,
      %get3A_244 = vector.shape_cast %get3A_243 : vector<1x16xf32> to vector<16xf32>
      %get3A_245 = arith.index_cast %scan3A_70 : i32 to index
      %get3A_246 = arith.constant 144 : index
      %get3A_247 = tpu.vector_load %arg9[%get3A_245, %get3A_246] {strides = array<i32>} : memref<64x256xf32, #tpu.memory_space<vmem>>, vector<1x16xf32>,
      %get3A_248 = vector.shape_cast %get3A_247 : vector<1x16xf32> to vector<16xf32>
      %add3A_249 = arith.addf %get3A_244, %get3A_248 : vector<16xf32>
      %get3A_250 = arith.index_cast %scan3A_70 : i32 to index
      %get3A_251 = arith.constant 144 : index
      %get3A_252 = tpu.vector_load %arg10[%get3A_250, %get3A_251] {strides = array<i32>} : memref<64x256xf32, #tpu.memory_space<vmem>>, vector<1x16xf32>,
      %get3A_253 = vector.shape_cast %get3A_252 : vector<1x16xf32> to vector<16xf32>
      %add3A_254 = arith.addf %add3A_249, %get3A_253 : vector<16xf32>
      %swap3A_255 = arith.index_cast %scan3A_70 : i32 to index
      %swap3A_256 = arith.constant 144 : index
      %swap3A_257 = tpu.vector_load %arg11[%swap3A_255, %swap3A_256] {strides = array<i32>} : memref<64x160xf32, #tpu.memory_space<vmem>>, vector<1x16xf32>,
      %swap3A_258 = vector.shape_cast %swap3A_257 : vector<1x16xf32> to vector<16xf32>
      %swap3A_259 = vector.shape_cast %add3A_254 : vector<16xf32> to vector<1x16xf32>
      tpu.vector_store %arg11[%swap3A_255, %swap3A_256], %swap3A_259 {strides = array<i32>} : memref<64x160xf32, #tpu.memory_space<vmem>>, vector<1x16xf32>,
      %scan3A_260 = arith.constant 0 : i32
      scf.yield %scan3A_260 : i32
    }
    %scan3A_69 = arith.constant 64 : i32
    "tpu.region"() ({
      %run_scoped3A = tpu.sem_alloc : memref<!tpu.dma_semaphore, #tpu.memory_space<semaphore_mem>>
      %dma_start3A_70 = arith.constant 0 : i32
      %dma_start3A_71 = tpu.memref_slice %arg6[%mul3A_2, %dma_start3A_70] : memref<2048x160xf32, #tpu.memory_space<hbm>> -> memref<64x160xf32, #tpu.memory_space<hbm>>
      %dma_start3A_72 = arith.constant 0 : i32
      %dma_start3A_73 = tpu.memref_slice %arg6[%mul3A_2, %dma_start3A_72] : memref<2048x160xf32, #tpu.memory_space<hbm>> -> memref<64x160xf32, #tpu.memory_space<hbm>>
      tpu.enqueue_dma source(%arg11 : memref<64x160xf32, #tpu.memory_space<vmem>>) target(%dma_start3A_73 : memref<64x160xf32, #tpu.memory_space<hbm>>) target_semaphore(%run_scoped3A : memref<!tpu.dma_semaphore, #tpu.memory_space<semaphore_mem>>)
      %dma_wait3A_74 = arith.constant 0 : i32
      %dma_wait3A_75 = tpu.memref_slice %arg6[%mul3A_2, %dma_wait3A_74] : memref<2048x160xf32, #tpu.memory_space<hbm>> -> memref<64x160xf32, #tpu.memory_space<hbm>>
      %dma_wait3A_76 = arith.constant 0 : i32
      %dma_wait3A_77 = tpu.memref_slice %arg6[%mul3A_2, %dma_wait3A_76] : memref<2048x160xf32, #tpu.memory_space<hbm>> -> memref<64x160xf32, #tpu.memory_space<hbm>>
      tpu.wait_dma2 semaphore(%run_scoped3A : memref<!tpu.dma_semaphore, #tpu.memory_space<semaphore_mem>>) src(%arg11 : memref<64x160xf32, #tpu.memory_space<vmem>>) dst(%dma_wait3A_77 : memref<64x160xf32, #tpu.memory_space<hbm>>)
      tpu.yield
    }) : () -> ()
    return
  }
}

module attributes {stable_mosaic.version = 14 : i64} {
  func.func @_prep_body(%arg0: i32, %arg1: memref<1x1024x768xf32, #tpu.memory_space<vmem>>, %arg2: memref<768x256xf32, #tpu.memory_space<vmem>>, %arg3: memref<1x2x1024x256xf32, #tpu.memory_space<vmem>>, %arg4: memref<1x1024x160xf32, #tpu.memory_space<vmem>>, %arg5: memref<1x1x1024xi32, #tpu.memory_space<vmem>>, %arg6: memref<1x1x1024xi32, #tpu.memory_space<vmem>>, %arg7: memref<1x1x1024xi32, #tpu.memory_space<vmem>>, %arg8: memref<1x1x1024xi32, #tpu.memory_space<vmem>>, %arg9: memref<1x1x1024xi32, #tpu.memory_space<vmem>>) attributes {dimension_semantics = [#tpu.dimension_semantics<arbitrary>], iteration_bounds = array<i64: 2>, scalar_prefetch = 0 : i64, scratch_operands = 0 : i64, tpu.core_type = #tpu.core_type<tc>, window_params = [{transform_indices = @transform_0, window_bounds = array<i64: 1, 1024, 768>}, {pipeline_mode = #tpu.pipeline_mode<synchronous>, transform_indices = @transform_1, window_bounds = array<i64: 768, 256>}, {transform_indices = @transform_2, window_bounds = array<i64: 1, 2, 1024, 256>}, {transform_indices = @transform_3, window_bounds = array<i64: 1, 1024, 160>}, {transform_indices = @transform_4, window_bounds = array<i64: 1, 1, 1024>}, {transform_indices = @transform_5, window_bounds = array<i64: 1, 1, 1024>}, {transform_indices = @transform_6, window_bounds = array<i64: 1, 1, 1024>}, {transform_indices = @transform_7, window_bounds = array<i64: 1, 1, 1024>}, {transform_indices = @transform_8, window_bounds = array<i64: 1, 1, 1024>}]} {
    %get3A = arith.constant 0 : index
    %get3A_0 = arith.constant 0 : index
    %get3A_1 = arith.constant 0 : index
    %get3A_2 = vector.load %arg1[%get3A, %get3A_0, %get3A_1] : memref<1x1024x768xf32, #tpu.memory_space<vmem>>, vector<1x1024x768xf32>
    %get3A_3 = vector.shape_cast %get3A_2 : vector<1x1024x768xf32> to vector<1024x768xf32>
    %mul3A = arith.mulf %get3A_3, %get3A_3 : vector<1024x768xf32>
    %reduce_sum3A = arith.constant dense<0.000000e+00> : vector<1024xf32>
    %reduce_sum3A_4 = vector.multi_reduction <add>, %mul3A, %reduce_sum3A [1] : vector<1024x768xf32> to vector<1024xf32>
    %broadcast_in_dim3A = vector.shape_cast %reduce_sum3A_4 : vector<1024xf32> to vector<1024x1xf32>
    %dot_general3A = arith.constant dense<0.000000e+00> : vector<1024x1024xf32>
    %dot_general3A_5 = tpu.matmul %get3A_3, %get3A_3, %dot_general3A {dimension_numbers = #tpu.dot_dimension_numbers<[1], [1], [0], [0], [0, 0, 1, 0], [], []>, transpose_lhs_hint = false} : vector<1024x768xf32>, vector<1024x768xf32>, vector<1024x1024xf32> -> vector<1024x1024xf32>
    %mul3A_6 = arith.constant 2.000000e+00 : f32
    %mul3A_7 = vector.broadcast %mul3A_6 : f32 to vector<1024x1024xf32>
    %mul3A_8 = arith.mulf %mul3A_7, %dot_general3A_5 : vector<1024x1024xf32>
    %sub3A = vector.broadcast %broadcast_in_dim3A : vector<1024x1xf32> to vector<1024x1024xf32>
    %sub3A_9 = arith.subf %sub3A, %mul3A_8 : vector<1024x1024xf32>
    %transpose3A = tpu.transpose %broadcast_in_dim3A, [1, 0] : vector<1024x1xf32> -> vector<1x1024xf32>
    %add3A = vector.broadcast %transpose3A : vector<1x1024xf32> to vector<1024x1024xf32>
    %add3A_10 = arith.addf %sub3A_9, %add3A : vector<1024x1024xf32>
    %iota3A = tpu.iota {dimensions = array<i32: 1>} : vector<1024x1024xi32>
    %reduce_min3A = arith.constant dense<0x7F800000> : vector<1024xf32>
    %reduce_min3A_11 = vector.multi_reduction <minimumf>, %add3A_10, %reduce_min3A [1] : vector<1024x1024xf32> to vector<1024xf32>
    %broadcast_in_dim3A_12 = vector.shape_cast %reduce_min3A_11 : vector<1024xf32> to vector<1024x1xf32>
    %eq3A = vector.broadcast %broadcast_in_dim3A_12 : vector<1024x1xf32> to vector<1024x1024xf32>
    %eq3A_13 = arith.cmpf oeq, %add3A_10, %eq3A : vector<1024x1024xf32>
    %jit3A = arith.constant 1024 : i32
    %broadcast_in_dim3A_14 = vector.broadcast %jit3A : i32 to vector<1024x1024xi32>
    %select_n3A = arith.select %eq3A_13, %iota3A, %broadcast_in_dim3A_14 : vector<1024x1024xi1>, vector<1024x1024xi32>
    %reduce_min3A_15 = arith.constant dense<2147483647> : vector<1024xi32>
    %reduce_min3A_16 = vector.multi_reduction <minsi>, %select_n3A, %reduce_min3A_15 [1] : vector<1024x1024xi32> to vector<1024xi32>
    %broadcast_in_dim3A_17 = vector.shape_cast %reduce_min3A_16 : vector<1024xi32> to vector<1024x1xi32>
    %eq3A_18 = vector.broadcast %broadcast_in_dim3A_17 : vector<1024x1xi32> to vector<1024x1024xi32>
    %eq3A_19 = arith.cmpi eq, %iota3A, %eq3A_18 : vector<1024x1024xi32>
    %jit3A_20 = arith.constant 0x7F800000 : f32
    %broadcast_in_dim3A_21 = vector.broadcast %jit3A_20 : f32 to vector<1024x1024xf32>
    %select_n3A_22 = arith.select %eq3A_19, %broadcast_in_dim3A_21, %add3A_10 : vector<1024x1024xi1>, vector<1024x1024xf32>
    %reduce_min3A_23 = arith.constant dense<0x7F800000> : vector<1024xf32>
    %reduce_min3A_24 = vector.multi_reduction <minimumf>, %select_n3A_22, %reduce_min3A_23 [1] : vector<1024x1024xf32> to vector<1024xf32>
    %broadcast_in_dim3A_25 = vector.shape_cast %reduce_min3A_24 : vector<1024xf32> to vector<1024x1xf32>
    %eq3A_26 = vector.broadcast %broadcast_in_dim3A_25 : vector<1024x1xf32> to vector<1024x1024xf32>
    %eq3A_27 = arith.cmpf oeq, %select_n3A_22, %eq3A_26 : vector<1024x1024xf32>
    %jit3A_28 = arith.constant 1024 : i32
    %broadcast_in_dim3A_29 = vector.broadcast %jit3A_28 : i32 to vector<1024x1024xi32>
    %select_n3A_30 = arith.select %eq3A_27, %iota3A, %broadcast_in_dim3A_29 : vector<1024x1024xi1>, vector<1024x1024xi32>
    %reduce_min3A_31 = arith.constant dense<2147483647> : vector<1024xi32>
    %reduce_min3A_32 = vector.multi_reduction <minsi>, %select_n3A_30, %reduce_min3A_31 [1] : vector<1024x1024xi32> to vector<1024xi32>
    %iota3A_33 = tpu.iota {dimensions = array<i32: 1>} : vector<1x1024xi32>
    %iota3A_34 = vector.shape_cast %iota3A_33 : vector<1x1024xi32> to vector<1024xi32>
    %ne3A = arith.cmpi ne, %reduce_min3A_16, %iota3A_34 : vector<1024xi32>
    %ne3A_35 = arith.cmpi ne, %reduce_min3A_32, %iota3A_34 : vector<1024xi32>
    %and3A = arith.andi %ne3A, %ne3A_35 : vector<1024xi1>
    %convert_element_type3A = arith.extui %and3A : vector<1024xi1> to vector<1024xi32>
    %get3A_36 = arith.constant 0 : index
    %get3A_37 = arith.constant 0 : index
    %get3A_38 = vector.load %arg2[%get3A_36, %get3A_37] : memref<768x256xf32, #tpu.memory_space<vmem>>, vector<768x256xf32>
    %dot_general3A_39 = arith.constant dense<0.000000e+00> : vector<1024x256xf32>
    %dot_general3A_40 = tpu.matmul %get3A_3, %get3A_38, %dot_general3A_39 {dimension_numbers = #tpu.dot_dimension_numbers<[1], [0], [0], [1], [0, 0, 1, 1], [], []>, transpose_lhs_hint = false} : vector<1024x768xf32>, vector<768x256xf32>, vector<1024x256xf32> -> vector<1024x256xf32>
    %mul3A_41 = arith.constant 0.333333343 : f32
    %mul3A_42 = vector.broadcast %mul3A_41 : f32 to vector<1024x256xf32>
    %mul3A_43 = arith.mulf %dot_general3A_40, %mul3A_42 : vector<1024x256xf32>
    %mul3A_44 = arith.constant 5.000000e-01 : f32
    %mul3A_45 = vector.broadcast %mul3A_44 : f32 to vector<1024x256xf32>
    %mul3A_46 = arith.mulf %dot_general3A_40, %mul3A_45 : vector<1024x256xf32>
    %swap3A = arith.constant 0 : index
    %swap3A_47 = arith.constant 0 : index
    %swap3A_48 = arith.constant 0 : index
    %swap3A_49 = arith.constant 0 : index
    %swap3A_50 = vector.load %arg3[%swap3A, %swap3A_47, %swap3A_48, %swap3A_49] : memref<1x2x1024x256xf32, #tpu.memory_space<vmem>>, vector<1x1x1024x256xf32>
    %swap3A_51 = vector.shape_cast %swap3A_50 : vector<1x1x1024x256xf32> to vector<1024x256xf32>
    %swap3A_52 = vector.shape_cast %mul3A_46 : vector<1024x256xf32> to vector<1x1x1024x256xf32>
    tpu.vector_store %arg3[%swap3A, %swap3A_47, %swap3A_48, %swap3A_49], %swap3A_52 {strides = array<i32>} : memref<1x2x1024x256xf32, #tpu.memory_space<vmem>>, vector<1x1x1024x256xf32>,
    %swap3A_53 = arith.constant 0 : index
    %swap3A_54 = arith.constant 1 : index
    %swap3A_55 = arith.constant 0 : index
    %swap3A_56 = arith.constant 0 : index
    %swap3A_57 = vector.load %arg3[%swap3A_53, %swap3A_54, %swap3A_55, %swap3A_56] : memref<1x2x1024x256xf32, #tpu.memory_space<vmem>>, vector<1x1x1024x256xf32>
    %swap3A_58 = vector.shape_cast %swap3A_57 : vector<1x1x1024x256xf32> to vector<1024x256xf32>
    %swap3A_59 = vector.shape_cast %mul3A_43 : vector<1024x256xf32> to vector<1x1x1024x256xf32>
    tpu.vector_store %arg3[%swap3A_53, %swap3A_54, %swap3A_55, %swap3A_56], %swap3A_59 {strides = array<i32>} : memref<1x2x1024x256xf32, #tpu.memory_space<vmem>>, vector<1x1x1024x256xf32>,
    %broadcast_in_dim3A_60 = vector.shape_cast %and3A : vector<1024xi1> to vector<1024x1xi1>
    %slice3A = vector.extract_strided_slice %mul3A_43 {offsets = [0, 0], sizes = [1024, 160], strides = [1, 1]} : vector<1024x256xf32> to vector<1024x160xf32>
    %jit3A_61 = arith.constant 0.000000e+00 : f32
    %broadcast_in_dim3A_62 = vector.shape_cast %broadcast_in_dim3A_60 : vector<1024x1xi1> to vector<1024x1xi1>
    %broadcast_in_dim3A_63 = vector.broadcast %broadcast_in_dim3A_62 : vector<1024x1xi1> to vector<1024x160xi1>
    %broadcast_in_dim3A_64 = vector.broadcast %jit3A_61 : f32 to vector<1024x160xf32>
    %select_n3A_65 = arith.select %broadcast_in_dim3A_63, %slice3A, %broadcast_in_dim3A_64 : vector<1024x160xi1>, vector<1024x160xf32>
    %swap3A_66 = arith.constant 0 : index
    %swap3A_67 = arith.constant 0 : index
    %swap3A_68 = arith.constant 0 : index
    %swap3A_69 = vector.load %arg4[%swap3A_66, %swap3A_67, %swap3A_68] : memref<1x1024x160xf32, #tpu.memory_space<vmem>>, vector<1x1024x160xf32>
    %swap3A_70 = vector.shape_cast %swap3A_69 : vector<1x1024x160xf32> to vector<1024x160xf32>
    %swap3A_71 = vector.shape_cast %select_n3A_65 : vector<1024x160xf32> to vector<1x1024x160xf32>
    tpu.vector_store %arg4[%swap3A_66, %swap3A_67, %swap3A_68], %swap3A_71 {strides = array<i32>} : memref<1x1024x160xf32, #tpu.memory_space<vmem>>, vector<1x1024x160xf32>,
    %mul3A_72 = arith.constant 2 : i32
    %mul3A_73 = arith.muli %arg0, %mul3A_72 : i32
    %add3A_74 = vector.broadcast %mul3A_73 : i32 to vector<1024xi32>
    %add3A_75 = arith.addi %add3A_74, %convert_element_type3A : vector<1024xi32>
    %mul3A_76 = arith.constant 1024 : i32
    %mul3A_77 = vector.broadcast %mul3A_76 : i32 to vector<1024xi32>
    %mul3A_78 = arith.muli %add3A_75, %mul3A_77 : vector<1024xi32>
    %add3A_79 = arith.addi %mul3A_78, %reduce_min3A_16 : vector<1024xi32>
    %swap3A_80 = arith.constant 0 : index
    %swap3A_81 = arith.constant 0 : index
    %swap3A_82 = arith.constant 0 : index
    %swap3A_83 = vector.load %arg5[%swap3A_80, %swap3A_81, %swap3A_82] : memref<1x1x1024xi32, #tpu.memory_space<vmem>>, vector<1x1x1024xi32>
    %swap3A_84 = vector.shape_cast %swap3A_83 : vector<1x1x1024xi32> to vector<1024xi32>
    %swap3A_85 = vector.shape_cast %add3A_79 : vector<1024xi32> to vector<1x1x1024xi32>
    tpu.vector_store %arg5[%swap3A_80, %swap3A_81, %swap3A_82], %swap3A_85 {strides = array<i32>} : memref<1x1x1024xi32, #tpu.memory_space<vmem>>, vector<1x1x1024xi32>,
    %add3A_86 = arith.addi %mul3A_78, %reduce_min3A_32 : vector<1024xi32>
    %swap3A_87 = arith.constant 0 : index
    %swap3A_88 = arith.constant 0 : index
    %swap3A_89 = arith.constant 0 : index
    %swap3A_90 = vector.load %arg6[%swap3A_87, %swap3A_88, %swap3A_89] : memref<1x1x1024xi32, #tpu.memory_space<vmem>>, vector<1x1x1024xi32>
    %swap3A_91 = vector.shape_cast %swap3A_90 : vector<1x1x1024xi32> to vector<1024xi32>
    %swap3A_92 = vector.shape_cast %add3A_86 : vector<1024xi32> to vector<1x1x1024xi32>
    tpu.vector_store %arg6[%swap3A_87, %swap3A_88, %swap3A_89], %swap3A_92 {strides = array<i32>} : memref<1x1x1024xi32, #tpu.memory_space<vmem>>, vector<1x1x1024xi32>,
    %swap3A_93 = arith.constant 0 : index
    %swap3A_94 = arith.constant 0 : index
    %swap3A_95 = arith.constant 0 : index
    %swap3A_96 = vector.load %arg7[%swap3A_93, %swap3A_94, %swap3A_95] : memref<1x1x1024xi32, #tpu.memory_space<vmem>>, vector<1x1x1024xi32>
    %swap3A_97 = vector.shape_cast %swap3A_96 : vector<1x1x1024xi32> to vector<1024xi32>
    %swap3A_98 = vector.shape_cast %reduce_min3A_16 : vector<1024xi32> to vector<1x1x1024xi32>
    tpu.vector_store %arg7[%swap3A_93, %swap3A_94, %swap3A_95], %swap3A_98 {strides = array<i32>} : memref<1x1x1024xi32, #tpu.memory_space<vmem>>, vector<1x1x1024xi32>,
    %swap3A_99 = arith.constant 0 : index
    %swap3A_100 = arith.constant 0 : index
    %swap3A_101 = arith.constant 0 : index
    %swap3A_102 = vector.load %arg8[%swap3A_99, %swap3A_100, %swap3A_101] : memref<1x1x1024xi32, #tpu.memory_space<vmem>>, vector<1x1x1024xi32>
    %swap3A_103 = vector.shape_cast %swap3A_102 : vector<1x1x1024xi32> to vector<1024xi32>
    %swap3A_104 = vector.shape_cast %reduce_min3A_32 : vector<1024xi32> to vector<1x1x1024xi32>
    tpu.vector_store %arg8[%swap3A_99, %swap3A_100, %swap3A_101], %swap3A_104 {strides = array<i32>} : memref<1x1x1024xi32, #tpu.memory_space<vmem>>, vector<1x1x1024xi32>,
    %jit3A_105 = arith.constant 1024 : i32
    %broadcast_in_dim3A_106 = vector.broadcast %jit3A_105 : i32 to vector<1024xi32>
    %select_n3A_107 = arith.select %and3A, %iota3A_34, %broadcast_in_dim3A_106 : vector<1024xi1>, vector<1024xi32>
    %swap3A_108 = arith.constant 0 : index
    %swap3A_109 = arith.constant 0 : index
    %swap3A_110 = arith.constant 0 : index
    %swap3A_111 = vector.load %arg9[%swap3A_108, %swap3A_109, %swap3A_110] : memref<1x1x1024xi32, #tpu.memory_space<vmem>>, vector<1x1x1024xi32>
    %swap3A_112 = vector.shape_cast %swap3A_111 : vector<1x1x1024xi32> to vector<1024xi32>
    %swap3A_113 = vector.shape_cast %select_n3A_107 : vector<1024xi32> to vector<1x1x1024xi32>
    tpu.vector_store %arg9[%swap3A_108, %swap3A_109, %swap3A_110], %swap3A_113 {strides = array<i32>} : memref<1x1x1024xi32, #tpu.memory_space<vmem>>, vector<1x1x1024xi32>,
    return
  }
  func.func @transform_0(%arg0: i32) -> (i32, i32, i32) {
    %add3A = arith.constant 2 : i32
    %add3A_0 = arith.addi %arg0, %add3A : i32
    %c0_i32 = arith.constant 0 : i32
    %c0_i32_1 = arith.constant 0 : i32
    %c0_i32_2 = arith.constant 0 : i32
    return %add3A_0, %c0_i32, %c0_i32_1 : i32, i32, i32
  }
  func.func @transform_1(%arg0: i32) -> (i32, i32) {
    %c0_i32 = arith.constant 0 : i32
    %c0_i32_0 = arith.constant 0 : i32
    %c0_i32_1 = arith.constant 0 : i32
    return %c0_i32, %c0_i32_0 : i32, i32
  }
  func.func @transform_2(%arg0: i32) -> (i32, i32, i32, i32) {
    %c0_i32 = arith.constant 0 : i32
    %c0_i32_0 = arith.constant 0 : i32
    %c0_i32_1 = arith.constant 0 : i32
    %c0_i32_2 = arith.constant 0 : i32
    return %arg0, %c0_i32, %c0_i32_0, %c0_i32_1 : i32, i32, i32, i32
  }
  func.func @transform_3(%arg0: i32) -> (i32, i32, i32) {
    %c0_i32 = arith.constant 0 : i32
    %c0_i32_0 = arith.constant 0 : i32
    %c0_i32_1 = arith.constant 0 : i32
    return %arg0, %c0_i32, %c0_i32_0 : i32, i32, i32
  }
  func.func @transform_4(%arg0: i32) -> (i32, i32, i32) {
    %c0_i32 = arith.constant 0 : i32
    %c0_i32_0 = arith.constant 0 : i32
    %c0_i32_1 = arith.constant 0 : i32
    return %arg0, %c0_i32, %c0_i32_0 : i32, i32, i32
  }
  func.func @transform_5(%arg0: i32) -> (i32, i32, i32) {
    %c0_i32 = arith.constant 0 : i32
    %c0_i32_0 = arith.constant 0 : i32
    %c0_i32_1 = arith.constant 0 : i32
    return %arg0, %c0_i32, %c0_i32_0 : i32, i32, i32
  }
  func.func @transform_6(%arg0: i32) -> (i32, i32, i32) {
    %c0_i32 = arith.constant 0 : i32
    %c0_i32_0 = arith.constant 0 : i32
    %c0_i32_1 = arith.constant 0 : i32
    return %arg0, %c0_i32, %c0_i32_0 : i32, i32, i32
  }
  func.func @transform_7(%arg0: i32) -> (i32, i32, i32) {
    %c0_i32 = arith.constant 0 : i32
    %c0_i32_0 = arith.constant 0 : i32
    %c0_i32_1 = arith.constant 0 : i32
    return %arg0, %c0_i32, %c0_i32_0 : i32, i32, i32
  }
  func.func @transform_8(%arg0: i32) -> (i32, i32, i32) {
    %c0_i32 = arith.constant 0 : i32
    %c0_i32_0 = arith.constant 0 : i32
    %c0_i32_1 = arith.constant 0 : i32
    return %arg0, %c0_i32, %c0_i32_0 : i32, i32, i32
  }
}

module attributes {stable_mosaic.version = 14 : i64} {
  func.func @_prep_body(%arg0: i32, %arg1: memref<1x1024x768xf32, #tpu.memory_space<vmem>>, %arg2: memref<768x256xf32, #tpu.memory_space<vmem>>, %arg3: memref<1x2x1024x256xf32, #tpu.memory_space<vmem>>, %arg4: memref<1x1024x160xf32, #tpu.memory_space<vmem>>, %arg5: memref<1x1x1024xi32, #tpu.memory_space<vmem>>, %arg6: memref<1x1x1024xi32, #tpu.memory_space<vmem>>, %arg7: memref<1x1x1024xi32, #tpu.memory_space<vmem>>, %arg8: memref<1x1x1024xi32, #tpu.memory_space<vmem>>, %arg9: memref<1x1x1024xi32, #tpu.memory_space<vmem>>) attributes {dimension_semantics = [#tpu.dimension_semantics<arbitrary>], iteration_bounds = array<i64: 2>, scalar_prefetch = 0 : i64, scratch_operands = 0 : i64, tpu.core_type = #tpu.core_type<tc>, window_params = [{transform_indices = @transform_0, window_bounds = array<i64: 1, 1024, 768>}, {pipeline_mode = #tpu.pipeline_mode<synchronous>, transform_indices = @transform_1, window_bounds = array<i64: 768, 256>}, {transform_indices = @transform_2, window_bounds = array<i64: 1, 2, 1024, 256>}, {transform_indices = @transform_3, window_bounds = array<i64: 1, 1024, 160>}, {transform_indices = @transform_4, window_bounds = array<i64: 1, 1, 1024>}, {transform_indices = @transform_5, window_bounds = array<i64: 1, 1, 1024>}, {transform_indices = @transform_6, window_bounds = array<i64: 1, 1, 1024>}, {transform_indices = @transform_7, window_bounds = array<i64: 1, 1, 1024>}, {transform_indices = @transform_8, window_bounds = array<i64: 1, 1, 1024>}]} {
    %get3A = arith.constant 0 : index
    %get3A_0 = arith.constant 0 : index
    %get3A_1 = arith.constant 0 : index
    %get3A_2 = vector.load %arg1[%get3A, %get3A_0, %get3A_1] : memref<1x1024x768xf32, #tpu.memory_space<vmem>>, vector<1x1024x768xf32>
    %get3A_3 = vector.shape_cast %get3A_2 : vector<1x1024x768xf32> to vector<1024x768xf32>
    %mul3A = arith.mulf %get3A_3, %get3A_3 : vector<1024x768xf32>
    %reduce_sum3A = arith.constant dense<0.000000e+00> : vector<1024xf32>
    %reduce_sum3A_4 = vector.multi_reduction <add>, %mul3A, %reduce_sum3A [1] : vector<1024x768xf32> to vector<1024xf32>
    %broadcast_in_dim3A = vector.shape_cast %reduce_sum3A_4 : vector<1024xf32> to vector<1024x1xf32>
    %dot_general3A = arith.constant dense<0.000000e+00> : vector<1024x1024xf32>
    %dot_general3A_5 = tpu.matmul %get3A_3, %get3A_3, %dot_general3A {dimension_numbers = #tpu.dot_dimension_numbers<[1], [1], [0], [0], [0, 0, 1, 0], [], []>, transpose_lhs_hint = false} : vector<1024x768xf32>, vector<1024x768xf32>, vector<1024x1024xf32> -> vector<1024x1024xf32>
    %mul3A_6 = arith.constant 2.000000e+00 : f32
    %mul3A_7 = vector.broadcast %mul3A_6 : f32 to vector<1024x1024xf32>
    %mul3A_8 = arith.mulf %mul3A_7, %dot_general3A_5 : vector<1024x1024xf32>
    %sub3A = vector.broadcast %broadcast_in_dim3A : vector<1024x1xf32> to vector<1024x1024xf32>
    %sub3A_9 = arith.subf %sub3A, %mul3A_8 : vector<1024x1024xf32>
    %transpose3A = tpu.transpose %broadcast_in_dim3A, [1, 0] : vector<1024x1xf32> -> vector<1x1024xf32>
    %add3A = vector.broadcast %transpose3A : vector<1x1024xf32> to vector<1024x1024xf32>
    %add3A_10 = arith.addf %sub3A_9, %add3A : vector<1024x1024xf32>
    %iota3A = tpu.iota {dimensions = array<i32: 1>} : vector<1024x1024xi32>
    %reduce_min3A = arith.constant dense<0x7F800000> : vector<1024xf32>
    %reduce_min3A_11 = vector.multi_reduction <minimumf>, %add3A_10, %reduce_min3A [1] : vector<1024x1024xf32> to vector<1024xf32>
    %broadcast_in_dim3A_12 = vector.shape_cast %reduce_min3A_11 : vector<1024xf32> to vector<1024x1xf32>
    %eq3A = vector.broadcast %broadcast_in_dim3A_12 : vector<1024x1xf32> to vector<1024x1024xf32>
    %eq3A_13 = arith.cmpf oeq, %add3A_10, %eq3A : vector<1024x1024xf32>
    %jit3A = arith.constant 1024 : i32
    %broadcast_in_dim3A_14 = vector.broadcast %jit3A : i32 to vector<1024x1024xi32>
    %select_n3A = arith.select %eq3A_13, %iota3A, %broadcast_in_dim3A_14 : vector<1024x1024xi1>, vector<1024x1024xi32>
    %reduce_min3A_15 = arith.constant dense<2147483647> : vector<1024xi32>
    %reduce_min3A_16 = vector.multi_reduction <minsi>, %select_n3A, %reduce_min3A_15 [1] : vector<1024x1024xi32> to vector<1024xi32>
    %broadcast_in_dim3A_17 = vector.shape_cast %reduce_min3A_16 : vector<1024xi32> to vector<1024x1xi32>
    %eq3A_18 = vector.broadcast %broadcast_in_dim3A_17 : vector<1024x1xi32> to vector<1024x1024xi32>
    %eq3A_19 = arith.cmpi eq, %iota3A, %eq3A_18 : vector<1024x1024xi32>
    %jit3A_20 = arith.constant 0x7F800000 : f32
    %broadcast_in_dim3A_21 = vector.broadcast %jit3A_20 : f32 to vector<1024x1024xf32>
    %select_n3A_22 = arith.select %eq3A_19, %broadcast_in_dim3A_21, %add3A_10 : vector<1024x1024xi1>, vector<1024x1024xf32>
    %reduce_min3A_23 = arith.constant dense<0x7F800000> : vector<1024xf32>
    %reduce_min3A_24 = vector.multi_reduction <minimumf>, %select_n3A_22, %reduce_min3A_23 [1] : vector<1024x1024xf32> to vector<1024xf32>
    %broadcast_in_dim3A_25 = vector.shape_cast %reduce_min3A_24 : vector<1024xf32> to vector<1024x1xf32>
    %eq3A_26 = vector.broadcast %broadcast_in_dim3A_25 : vector<1024x1xf32> to vector<1024x1024xf32>
    %eq3A_27 = arith.cmpf oeq, %select_n3A_22, %eq3A_26 : vector<1024x1024xf32>
    %jit3A_28 = arith.constant 1024 : i32
    %broadcast_in_dim3A_29 = vector.broadcast %jit3A_28 : i32 to vector<1024x1024xi32>
    %select_n3A_30 = arith.select %eq3A_27, %iota3A, %broadcast_in_dim3A_29 : vector<1024x1024xi1>, vector<1024x1024xi32>
    %reduce_min3A_31 = arith.constant dense<2147483647> : vector<1024xi32>
    %reduce_min3A_32 = vector.multi_reduction <minsi>, %select_n3A_30, %reduce_min3A_31 [1] : vector<1024x1024xi32> to vector<1024xi32>
    %iota3A_33 = tpu.iota {dimensions = array<i32: 1>} : vector<1x1024xi32>
    %iota3A_34 = vector.shape_cast %iota3A_33 : vector<1x1024xi32> to vector<1024xi32>
    %ne3A = arith.cmpi ne, %reduce_min3A_16, %iota3A_34 : vector<1024xi32>
    %ne3A_35 = arith.cmpi ne, %reduce_min3A_32, %iota3A_34 : vector<1024xi32>
    %and3A = arith.andi %ne3A, %ne3A_35 : vector<1024xi1>
    %convert_element_type3A = arith.extui %and3A : vector<1024xi1> to vector<1024xi32>
    %get3A_36 = arith.constant 0 : index
    %get3A_37 = arith.constant 0 : index
    %get3A_38 = vector.load %arg2[%get3A_36, %get3A_37] : memref<768x256xf32, #tpu.memory_space<vmem>>, vector<768x256xf32>
    %dot_general3A_39 = arith.constant dense<0.000000e+00> : vector<1024x256xf32>
    %dot_general3A_40 = tpu.matmul %get3A_3, %get3A_38, %dot_general3A_39 {dimension_numbers = #tpu.dot_dimension_numbers<[1], [0], [0], [1], [0, 0, 1, 1], [], []>, transpose_lhs_hint = false} : vector<1024x768xf32>, vector<768x256xf32>, vector<1024x256xf32> -> vector<1024x256xf32>
    %mul3A_41 = arith.constant 0.333333343 : f32
    %mul3A_42 = vector.broadcast %mul3A_41 : f32 to vector<1024x256xf32>
    %mul3A_43 = arith.mulf %dot_general3A_40, %mul3A_42 : vector<1024x256xf32>
    %mul3A_44 = arith.constant 5.000000e-01 : f32
    %mul3A_45 = vector.broadcast %mul3A_44 : f32 to vector<1024x256xf32>
    %mul3A_46 = arith.mulf %dot_general3A_40, %mul3A_45 : vector<1024x256xf32>
    %swap3A = arith.constant 0 : index
    %swap3A_47 = arith.constant 0 : index
    %swap3A_48 = arith.constant 0 : index
    %swap3A_49 = arith.constant 0 : index
    %swap3A_50 = vector.load %arg3[%swap3A, %swap3A_47, %swap3A_48, %swap3A_49] : memref<1x2x1024x256xf32, #tpu.memory_space<vmem>>, vector<1x1x1024x256xf32>
    %swap3A_51 = vector.shape_cast %swap3A_50 : vector<1x1x1024x256xf32> to vector<1024x256xf32>
    %swap3A_52 = vector.shape_cast %mul3A_46 : vector<1024x256xf32> to vector<1x1x1024x256xf32>
    tpu.vector_store %arg3[%swap3A, %swap3A_47, %swap3A_48, %swap3A_49], %swap3A_52 {strides = array<i32>} : memref<1x2x1024x256xf32, #tpu.memory_space<vmem>>, vector<1x1x1024x256xf32>,
    %swap3A_53 = arith.constant 0 : index
    %swap3A_54 = arith.constant 1 : index
    %swap3A_55 = arith.constant 0 : index
    %swap3A_56 = arith.constant 0 : index
    %swap3A_57 = vector.load %arg3[%swap3A_53, %swap3A_54, %swap3A_55, %swap3A_56] : memref<1x2x1024x256xf32, #tpu.memory_space<vmem>>, vector<1x1x1024x256xf32>
    %swap3A_58 = vector.shape_cast %swap3A_57 : vector<1x1x1024x256xf32> to vector<1024x256xf32>
    %swap3A_59 = vector.shape_cast %mul3A_43 : vector<1024x256xf32> to vector<1x1x1024x256xf32>
    tpu.vector_store %arg3[%swap3A_53, %swap3A_54, %swap3A_55, %swap3A_56], %swap3A_59 {strides = array<i32>} : memref<1x2x1024x256xf32, #tpu.memory_space<vmem>>, vector<1x1x1024x256xf32>,
    %broadcast_in_dim3A_60 = vector.shape_cast %and3A : vector<1024xi1> to vector<1024x1xi1>
    %slice3A = vector.extract_strided_slice %mul3A_43 {offsets = [0, 0], sizes = [1024, 160], strides = [1, 1]} : vector<1024x256xf32> to vector<1024x160xf32>
    %jit3A_61 = arith.constant 0.000000e+00 : f32
    %broadcast_in_dim3A_62 = vector.shape_cast %broadcast_in_dim3A_60 : vector<1024x1xi1> to vector<1024x1xi1>
    %broadcast_in_dim3A_63 = vector.broadcast %broadcast_in_dim3A_62 : vector<1024x1xi1> to vector<1024x160xi1>
    %broadcast_in_dim3A_64 = vector.broadcast %jit3A_61 : f32 to vector<1024x160xf32>
    %select_n3A_65 = arith.select %broadcast_in_dim3A_63, %slice3A, %broadcast_in_dim3A_64 : vector<1024x160xi1>, vector<1024x160xf32>
    %swap3A_66 = arith.constant 0 : index
    %swap3A_67 = arith.constant 0 : index
    %swap3A_68 = arith.constant 0 : index
    %swap3A_69 = vector.load %arg4[%swap3A_66, %swap3A_67, %swap3A_68] : memref<1x1024x160xf32, #tpu.memory_space<vmem>>, vector<1x1024x160xf32>
    %swap3A_70 = vector.shape_cast %swap3A_69 : vector<1x1024x160xf32> to vector<1024x160xf32>
    %swap3A_71 = vector.shape_cast %select_n3A_65 : vector<1024x160xf32> to vector<1x1024x160xf32>
    tpu.vector_store %arg4[%swap3A_66, %swap3A_67, %swap3A_68], %swap3A_71 {strides = array<i32>} : memref<1x1024x160xf32, #tpu.memory_space<vmem>>, vector<1x1024x160xf32>,
    %mul3A_72 = arith.constant 2 : i32
    %mul3A_73 = arith.muli %arg0, %mul3A_72 : i32
    %add3A_74 = vector.broadcast %mul3A_73 : i32 to vector<1024xi32>
    %add3A_75 = arith.addi %add3A_74, %convert_element_type3A : vector<1024xi32>
    %mul3A_76 = arith.constant 1024 : i32
    %mul3A_77 = vector.broadcast %mul3A_76 : i32 to vector<1024xi32>
    %mul3A_78 = arith.muli %add3A_75, %mul3A_77 : vector<1024xi32>
    %add3A_79 = arith.addi %mul3A_78, %reduce_min3A_16 : vector<1024xi32>
    %swap3A_80 = arith.constant 0 : index
    %swap3A_81 = arith.constant 0 : index
    %swap3A_82 = arith.constant 0 : index
    %swap3A_83 = vector.load %arg5[%swap3A_80, %swap3A_81, %swap3A_82] : memref<1x1x1024xi32, #tpu.memory_space<vmem>>, vector<1x1x1024xi32>
    %swap3A_84 = vector.shape_cast %swap3A_83 : vector<1x1x1024xi32> to vector<1024xi32>
    %swap3A_85 = vector.shape_cast %add3A_79 : vector<1024xi32> to vector<1x1x1024xi32>
    tpu.vector_store %arg5[%swap3A_80, %swap3A_81, %swap3A_82], %swap3A_85 {strides = array<i32>} : memref<1x1x1024xi32, #tpu.memory_space<vmem>>, vector<1x1x1024xi32>,
    %add3A_86 = arith.addi %mul3A_78, %reduce_min3A_32 : vector<1024xi32>
    %swap3A_87 = arith.constant 0 : index
    %swap3A_88 = arith.constant 0 : index
    %swap3A_89 = arith.constant 0 : index
    %swap3A_90 = vector.load %arg6[%swap3A_87, %swap3A_88, %swap3A_89] : memref<1x1x1024xi32, #tpu.memory_space<vmem>>, vector<1x1x1024xi32>
    %swap3A_91 = vector.shape_cast %swap3A_90 : vector<1x1x1024xi32> to vector<1024xi32>
    %swap3A_92 = vector.shape_cast %add3A_86 : vector<1024xi32> to vector<1x1x1024xi32>
    tpu.vector_store %arg6[%swap3A_87, %swap3A_88, %swap3A_89], %swap3A_92 {strides = array<i32>} : memref<1x1x1024xi32, #tpu.memory_space<vmem>>, vector<1x1x1024xi32>,
    %swap3A_93 = arith.constant 0 : index
    %swap3A_94 = arith.constant 0 : index
    %swap3A_95 = arith.constant 0 : index
    %swap3A_96 = vector.load %arg7[%swap3A_93, %swap3A_94, %swap3A_95] : memref<1x1x1024xi32, #tpu.memory_space<vmem>>, vector<1x1x1024xi32>
    %swap3A_97 = vector.shape_cast %swap3A_96 : vector<1x1x1024xi32> to vector<1024xi32>
    %swap3A_98 = vector.shape_cast %reduce_min3A_16 : vector<1024xi32> to vector<1x1x1024xi32>
    tpu.vector_store %arg7[%swap3A_93, %swap3A_94, %swap3A_95], %swap3A_98 {strides = array<i32>} : memref<1x1x1024xi32, #tpu.memory_space<vmem>>, vector<1x1x1024xi32>,
    %swap3A_99 = arith.constant 0 : index
    %swap3A_100 = arith.constant 0 : index
    %swap3A_101 = arith.constant 0 : index
    %swap3A_102 = vector.load %arg8[%swap3A_99, %swap3A_100, %swap3A_101] : memref<1x1x1024xi32, #tpu.memory_space<vmem>>, vector<1x1x1024xi32>
    %swap3A_103 = vector.shape_cast %swap3A_102 : vector<1x1x1024xi32> to vector<1024xi32>
    %swap3A_104 = vector.shape_cast %reduce_min3A_32 : vector<1024xi32> to vector<1x1x1024xi32>
    tpu.vector_store %arg8[%swap3A_99, %swap3A_100, %swap3A_101], %swap3A_104 {strides = array<i32>} : memref<1x1x1024xi32, #tpu.memory_space<vmem>>, vector<1x1x1024xi32>,
    %jit3A_105 = arith.constant 1024 : i32
    %broadcast_in_dim3A_106 = vector.broadcast %jit3A_105 : i32 to vector<1024xi32>
    %select_n3A_107 = arith.select %and3A, %iota3A_34, %broadcast_in_dim3A_106 : vector<1024xi1>, vector<1024xi32>
    %swap3A_108 = arith.constant 0 : index
    %swap3A_109 = arith.constant 0 : index
    %swap3A_110 = arith.constant 0 : index
    %swap3A_111 = vector.load %arg9[%swap3A_108, %swap3A_109, %swap3A_110] : memref<1x1x1024xi32, #tpu.memory_space<vmem>>, vector<1x1x1024xi32>
    %swap3A_112 = vector.shape_cast %swap3A_111 : vector<1x1x1024xi32> to vector<1024xi32>
    %swap3A_113 = vector.shape_cast %select_n3A_107 : vector<1024xi32> to vector<1x1x1024xi32>
    tpu.vector_store %arg9[%swap3A_108, %swap3A_109, %swap3A_110], %swap3A_113 {strides = array<i32>} : memref<1x1x1024xi32, #tpu.memory_space<vmem>>, vector<1x1x1024xi32>,
    return
  }
  func.func @transform_0(%arg0: i32) -> (i32, i32, i32) {
    %add3A = arith.constant 0 : i32
    %add3A_0 = arith.addi %arg0, %add3A : i32
    %c0_i32 = arith.constant 0 : i32
    %c0_i32_1 = arith.constant 0 : i32
    %c0_i32_2 = arith.constant 0 : i32
    return %add3A_0, %c0_i32, %c0_i32_1 : i32, i32, i32
  }
  func.func @transform_1(%arg0: i32) -> (i32, i32) {
    %c0_i32 = arith.constant 0 : i32
    %c0_i32_0 = arith.constant 0 : i32
    %c0_i32_1 = arith.constant 0 : i32
    return %c0_i32, %c0_i32_0 : i32, i32
  }
  func.func @transform_2(%arg0: i32) -> (i32, i32, i32, i32) {
    %c0_i32 = arith.constant 0 : i32
    %c0_i32_0 = arith.constant 0 : i32
    %c0_i32_1 = arith.constant 0 : i32
    %c0_i32_2 = arith.constant 0 : i32
    return %arg0, %c0_i32, %c0_i32_0, %c0_i32_1 : i32, i32, i32, i32
  }
  func.func @transform_3(%arg0: i32) -> (i32, i32, i32) {
    %c0_i32 = arith.constant 0 : i32
    %c0_i32_0 = arith.constant 0 : i32
    %c0_i32_1 = arith.constant 0 : i32
    return %arg0, %c0_i32, %c0_i32_0 : i32, i32, i32
  }
  func.func @transform_4(%arg0: i32) -> (i32, i32, i32) {
    %c0_i32 = arith.constant 0 : i32
    %c0_i32_0 = arith.constant 0 : i32
    %c0_i32_1 = arith.constant 0 : i32
    return %arg0, %c0_i32, %c0_i32_0 : i32, i32, i32
  }
  func.func @transform_5(%arg0: i32) -> (i32, i32, i32) {
    %c0_i32 = arith.constant 0 : i32
    %c0_i32_0 = arith.constant 0 : i32
    %c0_i32_1 = arith.constant 0 : i32
    return %arg0, %c0_i32, %c0_i32_0 : i32, i32, i32
  }
  func.func @transform_6(%arg0: i32) -> (i32, i32, i32) {
    %c0_i32 = arith.constant 0 : i32
    %c0_i32_0 = arith.constant 0 : i32
    %c0_i32_1 = arith.constant 0 : i32
    return %arg0, %c0_i32, %c0_i32_0 : i32, i32, i32
  }
  func.func @transform_7(%arg0: i32) -> (i32, i32, i32) {
    %c0_i32 = arith.constant 0 : i32
    %c0_i32_0 = arith.constant 0 : i32
    %c0_i32_1 = arith.constant 0 : i32
    return %arg0, %c0_i32, %c0_i32_0 : i32, i32, i32
  }
  func.func @transform_8(%arg0: i32) -> (i32, i32, i32) {
    %c0_i32 = arith.constant 0 : i32
    %c0_i32_0 = arith.constant 0 : i32
    %c0_i32_1 = arith.constant 0 : i32
    return %arg0, %c0_i32, %c0_i32_0 : i32, i32, i32
  }
}

module attributes {stable_mosaic.version = 14 : i64} {
  func.func @_finale_body(%arg0: memref<2x1024x160xf32, #tpu.memory_space<vmem>>, %arg1: memref<2x1024x160xf32, #tpu.memory_space<vmem>>, %arg2: memref<2x1x1024xi32, #tpu.memory_space<vmem>>, %arg3: memref<2x1x1024xi32, #tpu.memory_space<vmem>>, %arg4: memref<2x1x1024xi32, #tpu.memory_space<vmem>>, %arg5: memref<2x1x1024xi32, #tpu.memory_space<vmem>>, %arg6: memref<2x1x1024xi32, #tpu.memory_space<vmem>>, %arg7: memref<2x1x1024xi32, #tpu.memory_space<vmem>>, %arg8: memref<159xf32, #tpu.memory_space<vmem>>, %arg9: memref<159xf32, #tpu.memory_space<vmem>>, %arg10: memref<160xi32, #tpu.memory_space<vmem>>, %arg11: memref<160xi32, #tpu.memory_space<vmem>>, %arg12: memref<1024xi32, #tpu.memory_space<vmem>>, %arg13: memref<1024xi32, #tpu.memory_space<vmem>>, %arg14: memref<1024xi32, #tpu.memory_space<vmem>>, %arg15: memref<4x1024x159xf32, #tpu.memory_space<vmem>>) attributes {dimension_semantics = [], scalar_prefetch = 0 : i64, scratch_operands = 0 : i64, tpu.core_type = #tpu.core_type<tc>} {
    %iota3A = tpu.iota {dimensions = array<i32: 1>} : vector<1024x1024xi32>
    %iota3A_0 = tpu.iota {dimensions = array<i32: 1>} : vector<160x1024xi32>
    %iota3A_1 = tpu.iota {dimensions = array<i32: 1>} : vector<160x159xi32>
    %get3A = arith.constant 0 : index
    %get3A_2 = vector.load %arg10[%get3A] : memref<160xi32, #tpu.memory_space<vmem>>, vector<160xi32>
    %broadcast_in_dim3A = vector.shape_cast %get3A_2 : vector<160xi32> to vector<160x1xi32>
    %eq3A = vector.broadcast %broadcast_in_dim3A : vector<160x1xi32> to vector<160x1024xi32>
    %eq3A_3 = arith.cmpi eq, %iota3A_0, %eq3A : vector<160x1024xi32>
    %convert_element_type3A = arith.extui %eq3A_3 : vector<160x1024xi1> to vector<160x1024xi32>
    %convert_element_type3A_4 = arith.sitofp %convert_element_type3A : vector<160x1024xi32> to vector<160x1024xf32>
    %get3A_5 = arith.constant 0 : index
    %get3A_6 = vector.load %arg10[%get3A_5] : memref<160xi32, #tpu.memory_space<vmem>>, vector<160xi32>
    %broadcast_in_dim3A_7 = vector.shape_cast %get3A_6 : vector<160xi32> to vector<160x1xi32>
    %lt3A = vector.broadcast %broadcast_in_dim3A_7 : vector<160x1xi32> to vector<160x1024xi32>
    %lt3A_8 = arith.cmpi slt, %iota3A_0, %lt3A : vector<160x1024xi32>
    %convert_element_type3A_9 = arith.extui %lt3A_8 : vector<160x1024xi1> to vector<160x1024xi32>
    %convert_element_type3A_10 = arith.sitofp %convert_element_type3A_9 : vector<160x1024xi32> to vector<160x1024xf32>
    %get3A_11 = arith.constant 0 : index
    %get3A_12 = vector.load %arg11[%get3A_11] : memref<160xi32, #tpu.memory_space<vmem>>, vector<160xi32>
    %broadcast_in_dim3A_13 = vector.shape_cast %get3A_12 : vector<160xi32> to vector<160x1xi32>
    %lt3A_14 = vector.broadcast %broadcast_in_dim3A_13 : vector<160x1xi32> to vector<160x159xi32>
    %lt3A_15 = arith.cmpi slt, %iota3A_1, %lt3A_14 : vector<160x159xi32>
    %convert_element_type3A_16 = arith.extui %lt3A_15 : vector<160x159xi1> to vector<160x159xi32>
    %convert_element_type3A_17 = arith.sitofp %convert_element_type3A_16 : vector<160x159xi32> to vector<160x159xf32>
    %broadcast_in_dim3A_18 = arith.constant 0.000000e+00 : f32
    %broadcast_in_dim3A_19 = vector.broadcast %broadcast_in_dim3A_18 : f32 to vector<159xf32>
    %broadcast_in_dim3A_20 = arith.constant 0.000000e+00 : f32
    %broadcast_in_dim3A_21 = vector.broadcast %broadcast_in_dim3A_20 : f32 to vector<159xf32>
    %get3A_22 = arith.constant 0 : index
    %get3A_23 = arith.constant 0 : index
    %get3A_24 = arith.constant 0 : index
    %get3A_25 = vector.load %arg2[%get3A_22, %get3A_23, %get3A_24] : memref<2x1x1024xi32, #tpu.memory_space<vmem>>, vector<1x1x1024xi32>
    %get3A_26 = vector.shape_cast %get3A_25 : vector<1x1x1024xi32> to vector<1024xi32>
    %get3A_27 = arith.constant 0 : index
    %get3A_28 = arith.constant 0 : index
    %get3A_29 = arith.constant 0 : index
    %get3A_30 = vector.load %arg3[%get3A_27, %get3A_28, %get3A_29] : memref<2x1x1024xi32, #tpu.memory_space<vmem>>, vector<1x1x1024xi32>
    %get3A_31 = vector.shape_cast %get3A_30 : vector<1x1x1024xi32> to vector<1024xi32>
    %get3A_32 = arith.constant 0 : index
    %get3A_33 = arith.constant 0 : index
    %get3A_34 = arith.constant 0 : index
    %get3A_35 = vector.load %arg4[%get3A_32, %get3A_33, %get3A_34] : memref<2x1x1024xi32, #tpu.memory_space<vmem>>, vector<1x1x1024xi32>
    %get3A_36 = vector.shape_cast %get3A_35 : vector<1x1x1024xi32> to vector<1024xi32>
    %broadcast_in_dim3A_37 = vector.shape_cast %get3A_26 : vector<1024xi32> to vector<1024x1xi32>
    %eq3A_38 = vector.broadcast %broadcast_in_dim3A_37 : vector<1024x1xi32> to vector<1024x1024xi32>
    %eq3A_39 = arith.cmpi eq, %iota3A, %eq3A_38 : vector<1024x1024xi32>
    %broadcast_in_dim3A_40 = vector.shape_cast %get3A_31 : vector<1024xi32> to vector<1024x1xi32>
    %eq3A_41 = vector.broadcast %broadcast_in_dim3A_40 : vector<1024x1xi32> to vector<1024x1024xi32>
    %eq3A_42 = arith.cmpi eq, %iota3A, %eq3A_41 : vector<1024x1024xi32>
    %or3A = arith.ori %eq3A_39, %eq3A_42 : vector<1024x1024xi1>
    %broadcast_in_dim3A_43 = vector.shape_cast %get3A_36 : vector<1024xi32> to vector<1024x1xi32>
    %eq3A_44 = vector.broadcast %broadcast_in_dim3A_43 : vector<1024x1xi32> to vector<1024x1024xi32>
    %eq3A_45 = arith.cmpi eq, %iota3A, %eq3A_44 : vector<1024x1024xi32>
    %or3A_46 = arith.ori %or3A, %eq3A_45 : vector<1024x1024xi1>
    %convert_element_type3A_47 = arith.extui %or3A_46 : vector<1024x1024xi1> to vector<1024x1024xi32>
    %convert_element_type3A_48 = arith.sitofp %convert_element_type3A_47 : vector<1024x1024xi32> to vector<1024x1024xf32>
    %reduce_sum3A = arith.constant dense<0.000000e+00> : vector<1024xf32>
    %reduce_sum3A_49 = vector.multi_reduction <add>, %convert_element_type3A_48, %reduce_sum3A [0] : vector<1024x1024xf32> to vector<1024xf32>
    %get3A_50 = arith.constant 0 : index
    %get3A_51 = arith.constant 0 : index
    %get3A_52 = arith.constant 0 : index
    %get3A_53 = vector.load %arg0[%get3A_50, %get3A_51, %get3A_52] : memref<2x1024x160xf32, #tpu.memory_space<vmem>>, vector<1x1024x160xf32>
    %get3A_54 = vector.shape_cast %get3A_53 : vector<1x1024x160xf32> to vector<1024x160xf32>
    %dot_general3A = arith.constant dense<0.000000e+00> : vector<1024x160xf32>
    %dot_general3A_55 = tpu.matmul %convert_element_type3A_48, %get3A_54, %dot_general3A {dimension_numbers = #tpu.dot_dimension_numbers<[0], [0], [1], [1], [0, 1, 1, 1], [], []>, transpose_lhs_hint = false} : vector<1024x1024xf32>, vector<1024x160xf32>, vector<1024x160xf32> -> vector<1024x160xf32>
    %slice3A = vector.extract_strided_slice %dot_general3A_55 {offsets = [0, 0], sizes = [1024, 159], strides = [1, 1]} : vector<1024x160xf32> to vector<1024x159xf32>
    %broadcast_in_dim3A_56 = vector.shape_cast %reduce_sum3A_49 : vector<1024xf32> to vector<1024x1xf32>
    %div3A = vector.broadcast %broadcast_in_dim3A_56 : vector<1024x1xf32> to vector<1024x159xf32>
    %div3A_57 = arith.divf %slice3A, %div3A : vector<1024x159xf32>
    %mul3A = arith.mulf %div3A_57, %div3A_57 : vector<1024x159xf32>
    %reduce_sum3A_58 = arith.constant dense<0.000000e+00> : vector<1024xf32>
    %reduce_sum3A_59 = vector.multi_reduction <add>, %div3A_57, %reduce_sum3A_58 [1] : vector<1024x159xf32> to vector<1024xf32>
    %broadcast_in_dim3A_60 = vector.shape_cast %reduce_sum3A_59 : vector<1024xf32> to vector<1024x1xf32>
    %reduce_sum3A_61 = arith.constant dense<0.000000e+00> : vector<1024xf32>
    %reduce_sum3A_62 = vector.multi_reduction <add>, %mul3A, %reduce_sum3A_61 [1] : vector<1024x159xf32> to vector<1024xf32>
    %broadcast_in_dim3A_63 = vector.shape_cast %reduce_sum3A_62 : vector<1024xf32> to vector<1024x1xf32>
    %dot_general3A_64 = arith.constant dense<0.000000e+00> : vector<160x1xf32>
    %dot_general3A_65 = tpu.matmul %convert_element_type3A_10, %broadcast_in_dim3A_60, %dot_general3A_64 {dimension_numbers = #tpu.dot_dimension_numbers<[1], [0], [0], [1], [0, 0, 1, 1], [], []>, transpose_lhs_hint = false} : vector<160x1024xf32>, vector<1024x1xf32>, vector<160x1xf32> -> vector<160x1xf32>
    %squeeze3A = vector.shape_cast %dot_general3A_65 : vector<160x1xf32> to vector<160xf32>
    %dot_general3A_66 = arith.constant dense<0.000000e+00> : vector<160x159xf32>
    %dot_general3A_67 = tpu.matmul %convert_element_type3A_4, %div3A_57, %dot_general3A_66 {dimension_numbers = #tpu.dot_dimension_numbers<[1], [0], [0], [1], [0, 0, 1, 1], [], []>, transpose_lhs_hint = false} : vector<160x1024xf32>, vector<1024x159xf32>, vector<160x159xf32> -> vector<160x159xf32>
    %mul3A_68 = arith.mulf %dot_general3A_67, %convert_element_type3A_17 : vector<160x159xf32>
    %reduce_sum3A_69 = arith.constant dense<0.000000e+00> : vector<160xf32>
    %reduce_sum3A_70 = vector.multi_reduction <add>, %mul3A_68, %reduce_sum3A_69 [1] : vector<160x159xf32> to vector<160xf32>
    %add3A = arith.addf %squeeze3A, %reduce_sum3A_70 : vector<160xf32>
    %dot_general3A_71 = arith.constant dense<0.000000e+00> : vector<160x1xf32>
    %dot_general3A_72 = tpu.matmul %convert_element_type3A_10, %broadcast_in_dim3A_63, %dot_general3A_71 {dimension_numbers = #tpu.dot_dimension_numbers<[1], [0], [0], [1], [0, 0, 1, 1], [], []>, transpose_lhs_hint = false} : vector<160x1024xf32>, vector<1024x1xf32>, vector<160x1xf32> -> vector<160x1xf32>
    %squeeze3A_73 = vector.shape_cast %dot_general3A_72 : vector<160x1xf32> to vector<160xf32>
    %dot_general3A_74 = arith.constant dense<0.000000e+00> : vector<160x159xf32>
    %dot_general3A_75 = tpu.matmul %convert_element_type3A_4, %mul3A, %dot_general3A_74 {dimension_numbers = #tpu.dot_dimension_numbers<[1], [0], [0], [1], [0, 0, 1, 1], [], []>, transpose_lhs_hint = false} : vector<160x1024xf32>, vector<1024x159xf32>, vector<160x159xf32> -> vector<160x159xf32>
    %mul3A_76 = arith.mulf %dot_general3A_75, %convert_element_type3A_17 : vector<160x159xf32>
    %reduce_sum3A_77 = arith.constant dense<0.000000e+00> : vector<160xf32>
    %reduce_sum3A_78 = vector.multi_reduction <add>, %mul3A_76, %reduce_sum3A_77 [1] : vector<160x159xf32> to vector<160xf32>
    %add3A_79 = arith.addf %squeeze3A_73, %reduce_sum3A_78 : vector<160xf32>
    %slice3A_80 = vector.extract_strided_slice %add3A {offsets = [1], sizes = [159], strides = [1]} : vector<160xf32> to vector<159xf32>
    %slice3A_81 = vector.extract_strided_slice %add3A {offsets = [0], sizes = [159], strides = [1]} : vector<160xf32> to vector<159xf32>
    %sub3A = arith.subf %slice3A_80, %slice3A_81 : vector<159xf32>
    %add3A_82 = arith.addf %broadcast_in_dim3A_19, %sub3A : vector<159xf32>
    %slice3A_83 = vector.extract_strided_slice %add3A_79 {offsets = [1], sizes = [159], strides = [1]} : vector<160xf32> to vector<159xf32>
    %slice3A_84 = vector.extract_strided_slice %add3A_79 {offsets = [0], sizes = [159], strides = [1]} : vector<160xf32> to vector<159xf32>
    %sub3A_85 = arith.subf %slice3A_83, %slice3A_84 : vector<159xf32>
    %add3A_86 = arith.addf %broadcast_in_dim3A_21, %sub3A_85 : vector<159xf32>
    %get3A_87 = arith.constant 1 : index
    %get3A_88 = arith.constant 0 : index
    %get3A_89 = arith.constant 0 : index
    %get3A_90 = vector.load %arg2[%get3A_87, %get3A_88, %get3A_89] : memref<2x1x1024xi32, #tpu.memory_space<vmem>>, vector<1x1x1024xi32>
    %get3A_91 = vector.shape_cast %get3A_90 : vector<1x1x1024xi32> to vector<1024xi32>
    %get3A_92 = arith.constant 1 : index
    %get3A_93 = arith.constant 0 : index
    %get3A_94 = arith.constant 0 : index
    %get3A_95 = vector.load %arg3[%get3A_92, %get3A_93, %get3A_94] : memref<2x1x1024xi32, #tpu.memory_space<vmem>>, vector<1x1x1024xi32>
    %get3A_96 = vector.shape_cast %get3A_95 : vector<1x1x1024xi32> to vector<1024xi32>
    %get3A_97 = arith.constant 1 : index
    %get3A_98 = arith.constant 0 : index
    %get3A_99 = arith.constant 0 : index
    %get3A_100 = vector.load %arg4[%get3A_97, %get3A_98, %get3A_99] : memref<2x1x1024xi32, #tpu.memory_space<vmem>>, vector<1x1x1024xi32>
    %get3A_101 = vector.shape_cast %get3A_100 : vector<1x1x1024xi32> to vector<1024xi32>
    %broadcast_in_dim3A_102 = vector.shape_cast %get3A_91 : vector<1024xi32> to vector<1024x1xi32>
    %eq3A_103 = vector.broadcast %broadcast_in_dim3A_102 : vector<1024x1xi32> to vector<1024x1024xi32>
    %eq3A_104 = arith.cmpi eq, %iota3A, %eq3A_103 : vector<1024x1024xi32>
    %broadcast_in_dim3A_105 = vector.shape_cast %get3A_96 : vector<1024xi32> to vector<1024x1xi32>
    %eq3A_106 = vector.broadcast %broadcast_in_dim3A_105 : vector<1024x1xi32> to vector<1024x1024xi32>
    %eq3A_107 = arith.cmpi eq, %iota3A, %eq3A_106 : vector<1024x1024xi32>
    %or3A_108 = arith.ori %eq3A_104, %eq3A_107 : vector<1024x1024xi1>
    %broadcast_in_dim3A_109 = vector.shape_cast %get3A_101 : vector<1024xi32> to vector<1024x1xi32>
    %eq3A_110 = vector.broadcast %broadcast_in_dim3A_109 : vector<1024x1xi32> to vector<1024x1024xi32>
    %eq3A_111 = arith.cmpi eq, %iota3A, %eq3A_110 : vector<1024x1024xi32>
    %or3A_112 = arith.ori %or3A_108, %eq3A_111 : vector<1024x1024xi1>
    %convert_element_type3A_113 = arith.extui %or3A_112 : vector<1024x1024xi1> to vector<1024x1024xi32>
    %convert_element_type3A_114 = arith.sitofp %convert_element_type3A_113 : vector<1024x1024xi32> to vector<1024x1024xf32>
    %reduce_sum3A_115 = arith.constant dense<0.000000e+00> : vector<1024xf32>
    %reduce_sum3A_116 = vector.multi_reduction <add>, %convert_element_type3A_114, %reduce_sum3A_115 [0] : vector<1024x1024xf32> to vector<1024xf32>
    %get3A_117 = arith.constant 1 : index
    %get3A_118 = arith.constant 0 : index
    %get3A_119 = arith.constant 0 : index
    %get3A_120 = vector.load %arg0[%get3A_117, %get3A_118, %get3A_119] : memref<2x1024x160xf32, #tpu.memory_space<vmem>>, vector<1x1024x160xf32>
    %get3A_121 = vector.shape_cast %get3A_120 : vector<1x1024x160xf32> to vector<1024x160xf32>
    %dot_general3A_122 = arith.constant dense<0.000000e+00> : vector<1024x160xf32>
    %dot_general3A_123 = tpu.matmul %convert_element_type3A_114, %get3A_121, %dot_general3A_122 {dimension_numbers = #tpu.dot_dimension_numbers<[0], [0], [1], [1], [0, 1, 1, 1], [], []>, transpose_lhs_hint = false} : vector<1024x1024xf32>, vector<1024x160xf32>, vector<1024x160xf32> -> vector<1024x160xf32>
    %slice3A_124 = vector.extract_strided_slice %dot_general3A_123 {offsets = [0, 0], sizes = [1024, 159], strides = [1, 1]} : vector<1024x160xf32> to vector<1024x159xf32>
    %broadcast_in_dim3A_125 = vector.shape_cast %reduce_sum3A_116 : vector<1024xf32> to vector<1024x1xf32>
    %div3A_126 = vector.broadcast %broadcast_in_dim3A_125 : vector<1024x1xf32> to vector<1024x159xf32>
    %div3A_127 = arith.divf %slice3A_124, %div3A_126 : vector<1024x159xf32>
    %mul3A_128 = arith.mulf %div3A_127, %div3A_127 : vector<1024x159xf32>
    %reduce_sum3A_129 = arith.constant dense<0.000000e+00> : vector<1024xf32>
    %reduce_sum3A_130 = vector.multi_reduction <add>, %div3A_127, %reduce_sum3A_129 [1] : vector<1024x159xf32> to vector<1024xf32>
    %broadcast_in_dim3A_131 = vector.shape_cast %reduce_sum3A_130 : vector<1024xf32> to vector<1024x1xf32>
    %reduce_sum3A_132 = arith.constant dense<0.000000e+00> : vector<1024xf32>
    %reduce_sum3A_133 = vector.multi_reduction <add>, %mul3A_128, %reduce_sum3A_132 [1] : vector<1024x159xf32> to vector<1024xf32>
    %broadcast_in_dim3A_134 = vector.shape_cast %reduce_sum3A_133 : vector<1024xf32> to vector<1024x1xf32>
    %dot_general3A_135 = arith.constant dense<0.000000e+00> : vector<160x1xf32>
    %dot_general3A_136 = tpu.matmul %convert_element_type3A_10, %broadcast_in_dim3A_131, %dot_general3A_135 {dimension_numbers = #tpu.dot_dimension_numbers<[1], [0], [0], [1], [0, 0, 1, 1], [], []>, transpose_lhs_hint = false} : vector<160x1024xf32>, vector<1024x1xf32>, vector<160x1xf32> -> vector<160x1xf32>
    %squeeze3A_137 = vector.shape_cast %dot_general3A_136 : vector<160x1xf32> to vector<160xf32>
    %dot_general3A_138 = arith.constant dense<0.000000e+00> : vector<160x159xf32>
    %dot_general3A_139 = tpu.matmul %convert_element_type3A_4, %div3A_127, %dot_general3A_138 {dimension_numbers = #tpu.dot_dimension_numbers<[1], [0], [0], [1], [0, 0, 1, 1], [], []>, transpose_lhs_hint = false} : vector<160x1024xf32>, vector<1024x159xf32>, vector<160x159xf32> -> vector<160x159xf32>
    %mul3A_140 = arith.mulf %dot_general3A_139, %convert_element_type3A_17 : vector<160x159xf32>
    %reduce_sum3A_141 = arith.constant dense<0.000000e+00> : vector<160xf32>
    %reduce_sum3A_142 = vector.multi_reduction <add>, %mul3A_140, %reduce_sum3A_141 [1] : vector<160x159xf32> to vector<160xf32>
    %add3A_143 = arith.addf %squeeze3A_137, %reduce_sum3A_142 : vector<160xf32>
    %dot_general3A_144 = arith.constant dense<0.000000e+00> : vector<160x1xf32>
    %dot_general3A_145 = tpu.matmul %convert_element_type3A_10, %broadcast_in_dim3A_134, %dot_general3A_144 {dimension_numbers = #tpu.dot_dimension_numbers<[1], [0], [0], [1], [0, 0, 1, 1], [], []>, transpose_lhs_hint = false} : vector<160x1024xf32>, vector<1024x1xf32>, vector<160x1xf32> -> vector<160x1xf32>
    %squeeze3A_146 = vector.shape_cast %dot_general3A_145 : vector<160x1xf32> to vector<160xf32>
    %dot_general3A_147 = arith.constant dense<0.000000e+00> : vector<160x159xf32>
    %dot_general3A_148 = tpu.matmul %convert_element_type3A_4, %mul3A_128, %dot_general3A_147 {dimension_numbers = #tpu.dot_dimension_numbers<[1], [0], [0], [1], [0, 0, 1, 1], [], []>, transpose_lhs_hint = false} : vector<160x1024xf32>, vector<1024x159xf32>, vector<160x159xf32> -> vector<160x159xf32>
    %mul3A_149 = arith.mulf %dot_general3A_148, %convert_element_type3A_17 : vector<160x159xf32>
    %reduce_sum3A_150 = arith.constant dense<0.000000e+00> : vector<160xf32>
    %reduce_sum3A_151 = vector.multi_reduction <add>, %mul3A_149, %reduce_sum3A_150 [1] : vector<160x159xf32> to vector<160xf32>
    %add3A_152 = arith.addf %squeeze3A_146, %reduce_sum3A_151 : vector<160xf32>
    %slice3A_153 = vector.extract_strided_slice %add3A_143 {offsets = [1], sizes = [159], strides = [1]} : vector<160xf32> to vector<159xf32>
    %slice3A_154 = vector.extract_strided_slice %add3A_143 {offsets = [0], sizes = [159], strides = [1]} : vector<160xf32> to vector<159xf32>
    %sub3A_155 = arith.subf %slice3A_153, %slice3A_154 : vector<159xf32>
    %add3A_156 = arith.addf %add3A_82, %sub3A_155 : vector<159xf32>
    %slice3A_157 = vector.extract_strided_slice %add3A_152 {offsets = [1], sizes = [159], strides = [1]} : vector<160xf32> to vector<159xf32>
    %slice3A_158 = vector.extract_strided_slice %add3A_152 {offsets = [0], sizes = [159], strides = [1]} : vector<160xf32> to vector<159xf32>
    %sub3A_159 = arith.subf %slice3A_157, %slice3A_158 : vector<159xf32>
    %add3A_160 = arith.addf %add3A_86, %sub3A_159 : vector<159xf32>
    %get3A_161 = arith.constant 0 : index
    %get3A_162 = arith.constant 0 : index
    %get3A_163 = arith.constant 0 : index
    %get3A_164 = vector.load %arg5[%get3A_161, %get3A_162, %get3A_163] : memref<2x1x1024xi32, #tpu.memory_space<vmem>>, vector<1x1x1024xi32>
    %get3A_165 = vector.shape_cast %get3A_164 : vector<1x1x1024xi32> to vector<1024xi32>
    %get3A_166 = arith.constant 0 : index
    %get3A_167 = arith.constant 0 : index
    %get3A_168 = arith.constant 0 : index
    %get3A_169 = vector.load %arg6[%get3A_166, %get3A_167, %get3A_168] : memref<2x1x1024xi32, #tpu.memory_space<vmem>>, vector<1x1x1024xi32>
    %get3A_170 = vector.shape_cast %get3A_169 : vector<1x1x1024xi32> to vector<1024xi32>
    %get3A_171 = arith.constant 0 : index
    %get3A_172 = arith.constant 0 : index
    %get3A_173 = arith.constant 0 : index
    %get3A_174 = vector.load %arg7[%get3A_171, %get3A_172, %get3A_173] : memref<2x1x1024xi32, #tpu.memory_space<vmem>>, vector<1x1x1024xi32>
    %get3A_175 = vector.shape_cast %get3A_174 : vector<1x1x1024xi32> to vector<1024xi32>
    %broadcast_in_dim3A_176 = vector.shape_cast %get3A_165 : vector<1024xi32> to vector<1024x1xi32>
    %eq3A_177 = vector.broadcast %broadcast_in_dim3A_176 : vector<1024x1xi32> to vector<1024x1024xi32>
    %eq3A_178 = arith.cmpi eq, %iota3A, %eq3A_177 : vector<1024x1024xi32>
    %broadcast_in_dim3A_179 = vector.shape_cast %get3A_170 : vector<1024xi32> to vector<1024x1xi32>
    %eq3A_180 = vector.broadcast %broadcast_in_dim3A_179 : vector<1024x1xi32> to vector<1024x1024xi32>
    %eq3A_181 = arith.cmpi eq, %iota3A, %eq3A_180 : vector<1024x1024xi32>
    %or3A_182 = arith.ori %eq3A_178, %eq3A_181 : vector<1024x1024xi1>
    %broadcast_in_dim3A_183 = vector.shape_cast %get3A_175 : vector<1024xi32> to vector<1024x1xi32>
    %eq3A_184 = vector.broadcast %broadcast_in_dim3A_183 : vector<1024x1xi32> to vector<1024x1024xi32>
    %eq3A_185 = arith.cmpi eq, %iota3A, %eq3A_184 : vector<1024x1024xi32>
    %or3A_186 = arith.ori %or3A_182, %eq3A_185 : vector<1024x1024xi1>
    %convert_element_type3A_187 = arith.extui %or3A_186 : vector<1024x1024xi1> to vector<1024x1024xi32>
    %convert_element_type3A_188 = arith.sitofp %convert_element_type3A_187 : vector<1024x1024xi32> to vector<1024x1024xf32>
    %reduce_sum3A_189 = arith.constant dense<0.000000e+00> : vector<1024xf32>
    %reduce_sum3A_190 = vector.multi_reduction <add>, %convert_element_type3A_188, %reduce_sum3A_189 [0] : vector<1024x1024xf32> to vector<1024xf32>
    %get3A_191 = arith.constant 0 : index
    %get3A_192 = arith.constant 0 : index
    %get3A_193 = arith.constant 0 : index
    %get3A_194 = vector.load %arg1[%get3A_191, %get3A_192, %get3A_193] : memref<2x1024x160xf32, #tpu.memory_space<vmem>>, vector<1x1024x160xf32>
    %get3A_195 = vector.shape_cast %get3A_194 : vector<1x1024x160xf32> to vector<1024x160xf32>
    %dot_general3A_196 = arith.constant dense<0.000000e+00> : vector<1024x160xf32>
    %dot_general3A_197 = tpu.matmul %convert_element_type3A_188, %get3A_195, %dot_general3A_196 {dimension_numbers = #tpu.dot_dimension_numbers<[0], [0], [1], [1], [0, 1, 1, 1], [], []>, transpose_lhs_hint = false} : vector<1024x1024xf32>, vector<1024x160xf32>, vector<1024x160xf32> -> vector<1024x160xf32>
    %slice3A_198 = vector.extract_strided_slice %dot_general3A_197 {offsets = [0, 0], sizes = [1024, 159], strides = [1, 1]} : vector<1024x160xf32> to vector<1024x159xf32>
    %broadcast_in_dim3A_199 = vector.shape_cast %reduce_sum3A_190 : vector<1024xf32> to vector<1024x1xf32>
    %div3A_200 = vector.broadcast %broadcast_in_dim3A_199 : vector<1024x1xf32> to vector<1024x159xf32>
    %div3A_201 = arith.divf %slice3A_198, %div3A_200 : vector<1024x159xf32>
    %mul3A_202 = arith.mulf %div3A_201, %div3A_201 : vector<1024x159xf32>
    %reduce_sum3A_203 = arith.constant dense<0.000000e+00> : vector<1024xf32>
    %reduce_sum3A_204 = vector.multi_reduction <add>, %div3A_201, %reduce_sum3A_203 [1] : vector<1024x159xf32> to vector<1024xf32>
    %broadcast_in_dim3A_205 = vector.shape_cast %reduce_sum3A_204 : vector<1024xf32> to vector<1024x1xf32>
    %reduce_sum3A_206 = arith.constant dense<0.000000e+00> : vector<1024xf32>
    %reduce_sum3A_207 = vector.multi_reduction <add>, %mul3A_202, %reduce_sum3A_206 [1] : vector<1024x159xf32> to vector<1024xf32>
    %broadcast_in_dim3A_208 = vector.shape_cast %reduce_sum3A_207 : vector<1024xf32> to vector<1024x1xf32>
    %dot_general3A_209 = arith.constant dense<0.000000e+00> : vector<160x1xf32>
    %dot_general3A_210 = tpu.matmul %convert_element_type3A_10, %broadcast_in_dim3A_205, %dot_general3A_209 {dimension_numbers = #tpu.dot_dimension_numbers<[1], [0], [0], [1], [0, 0, 1, 1], [], []>, transpose_lhs_hint = false} : vector<160x1024xf32>, vector<1024x1xf32>, vector<160x1xf32> -> vector<160x1xf32>
    %squeeze3A_211 = vector.shape_cast %dot_general3A_210 : vector<160x1xf32> to vector<160xf32>
    %dot_general3A_212 = arith.constant dense<0.000000e+00> : vector<160x159xf32>
    %dot_general3A_213 = tpu.matmul %convert_element_type3A_4, %div3A_201, %dot_general3A_212 {dimension_numbers = #tpu.dot_dimension_numbers<[1], [0], [0], [1], [0, 0, 1, 1], [], []>, transpose_lhs_hint = false} : vector<160x1024xf32>, vector<1024x159xf32>, vector<160x159xf32> -> vector<160x159xf32>
    %mul3A_214 = arith.mulf %dot_general3A_213, %convert_element_type3A_17 : vector<160x159xf32>
    %reduce_sum3A_215 = arith.constant dense<0.000000e+00> : vector<160xf32>
    %reduce_sum3A_216 = vector.multi_reduction <add>, %mul3A_214, %reduce_sum3A_215 [1] : vector<160x159xf32> to vector<160xf32>
    %add3A_217 = arith.addf %squeeze3A_211, %reduce_sum3A_216 : vector<160xf32>
    %dot_general3A_218 = arith.constant dense<0.000000e+00> : vector<160x1xf32>
    %dot_general3A_219 = tpu.matmul %convert_element_type3A_10, %broadcast_in_dim3A_208, %dot_general3A_218 {dimension_numbers = #tpu.dot_dimension_numbers<[1], [0], [0], [1], [0, 0, 1, 1], [], []>, transpose_lhs_hint = false} : vector<160x1024xf32>, vector<1024x1xf32>, vector<160x1xf32> -> vector<160x1xf32>
    %squeeze3A_220 = vector.shape_cast %dot_general3A_219 : vector<160x1xf32> to vector<160xf32>
    %dot_general3A_221 = arith.constant dense<0.000000e+00> : vector<160x159xf32>
    %dot_general3A_222 = tpu.matmul %convert_element_type3A_4, %mul3A_202, %dot_general3A_221 {dimension_numbers = #tpu.dot_dimension_numbers<[1], [0], [0], [1], [0, 0, 1, 1], [], []>, transpose_lhs_hint = false} : vector<160x1024xf32>, vector<1024x159xf32>, vector<160x159xf32> -> vector<160x159xf32>
    %mul3A_223 = arith.mulf %dot_general3A_222, %convert_element_type3A_17 : vector<160x159xf32>
    %reduce_sum3A_224 = arith.constant dense<0.000000e+00> : vector<160xf32>
    %reduce_sum3A_225 = vector.multi_reduction <add>, %mul3A_223, %reduce_sum3A_224 [1] : vector<160x159xf32> to vector<160xf32>
    %add3A_226 = arith.addf %squeeze3A_220, %reduce_sum3A_225 : vector<160xf32>
    %slice3A_227 = vector.extract_strided_slice %add3A_217 {offsets = [1], sizes = [159], strides = [1]} : vector<160xf32> to vector<159xf32>
    %slice3A_228 = vector.extract_strided_slice %add3A_217 {offsets = [0], sizes = [159], strides = [1]} : vector<160xf32> to vector<159xf32>
    %sub3A_229 = arith.subf %slice3A_227, %slice3A_228 : vector<159xf32>
    %add3A_230 = arith.addf %add3A_156, %sub3A_229 : vector<159xf32>
    %slice3A_231 = vector.extract_strided_slice %add3A_226 {offsets = [1], sizes = [159], strides = [1]} : vector<160xf32> to vector<159xf32>
    %slice3A_232 = vector.extract_strided_slice %add3A_226 {offsets = [0], sizes = [159], strides = [1]} : vector<160xf32> to vector<159xf32>
    %sub3A_233 = arith.subf %slice3A_231, %slice3A_232 : vector<159xf32>
    %add3A_234 = arith.addf %add3A_160, %sub3A_233 : vector<159xf32>
    %get3A_235 = arith.constant 1 : index
    %get3A_236 = arith.constant 0 : index
    %get3A_237 = arith.constant 0 : index
    %get3A_238 = vector.load %arg5[%get3A_235, %get3A_236, %get3A_237] : memref<2x1x1024xi32, #tpu.memory_space<vmem>>, vector<1x1x1024xi32>
    %get3A_239 = vector.shape_cast %get3A_238 : vector<1x1x1024xi32> to vector<1024xi32>
    %get3A_240 = arith.constant 1 : index
    %get3A_241 = arith.constant 0 : index
    %get3A_242 = arith.constant 0 : index
    %get3A_243 = vector.load %arg6[%get3A_240, %get3A_241, %get3A_242] : memref<2x1x1024xi32, #tpu.memory_space<vmem>>, vector<1x1x1024xi32>
    %get3A_244 = vector.shape_cast %get3A_243 : vector<1x1x1024xi32> to vector<1024xi32>
    %get3A_245 = arith.constant 1 : index
    %get3A_246 = arith.constant 0 : index
    %get3A_247 = arith.constant 0 : index
    %get3A_248 = vector.load %arg7[%get3A_245, %get3A_246, %get3A_247] : memref<2x1x1024xi32, #tpu.memory_space<vmem>>, vector<1x1x1024xi32>
    %get3A_249 = vector.shape_cast %get3A_248 : vector<1x1x1024xi32> to vector<1024xi32>
    %broadcast_in_dim3A_250 = vector.shape_cast %get3A_239 : vector<1024xi32> to vector<1024x1xi32>
    %eq3A_251 = vector.broadcast %broadcast_in_dim3A_250 : vector<1024x1xi32> to vector<1024x1024xi32>
    %eq3A_252 = arith.cmpi eq, %iota3A, %eq3A_251 : vector<1024x1024xi32>
    %broadcast_in_dim3A_253 = vector.shape_cast %get3A_244 : vector<1024xi32> to vector<1024x1xi32>
    %eq3A_254 = vector.broadcast %broadcast_in_dim3A_253 : vector<1024x1xi32> to vector<1024x1024xi32>
    %eq3A_255 = arith.cmpi eq, %iota3A, %eq3A_254 : vector<1024x1024xi32>
    %or3A_256 = arith.ori %eq3A_252, %eq3A_255 : vector<1024x1024xi1>
    %broadcast_in_dim3A_257 = vector.shape_cast %get3A_249 : vector<1024xi32> to vector<1024x1xi32>
    %eq3A_258 = vector.broadcast %broadcast_in_dim3A_257 : vector<1024x1xi32> to vector<1024x1024xi32>
    %eq3A_259 = arith.cmpi eq, %iota3A, %eq3A_258 : vector<1024x1024xi32>
    %or3A_260 = arith.ori %or3A_256, %eq3A_259 : vector<1024x1024xi1>
    %convert_element_type3A_261 = arith.extui %or3A_260 : vector<1024x1024xi1> to vector<1024x1024xi32>
    %convert_element_type3A_262 = arith.sitofp %convert_element_type3A_261 : vector<1024x1024xi32> to vector<1024x1024xf32>
    %reduce_sum3A_263 = arith.constant dense<0.000000e+00> : vector<1024xf32>
    %reduce_sum3A_264 = vector.multi_reduction <add>, %convert_element_type3A_262, %reduce_sum3A_263 [0] : vector<1024x1024xf32> to vector<1024xf32>
    %get3A_265 = arith.constant 1 : index
    %get3A_266 = arith.constant 0 : index
    %get3A_267 = arith.constant 0 : index
    %get3A_268 = vector.load %arg1[%get3A_265, %get3A_266, %get3A_267] : memref<2x1024x160xf32, #tpu.memory_space<vmem>>, vector<1x1024x160xf32>
    %get3A_269 = vector.shape_cast %get3A_268 : vector<1x1024x160xf32> to vector<1024x160xf32>
    %dot_general3A_270 = arith.constant dense<0.000000e+00> : vector<1024x160xf32>
    %dot_general3A_271 = tpu.matmul %convert_element_type3A_262, %get3A_269, %dot_general3A_270 {dimension_numbers = #tpu.dot_dimension_numbers<[0], [0], [1], [1], [0, 1, 1, 1], [], []>, transpose_lhs_hint = false} : vector<1024x1024xf32>, vector<1024x160xf32>, vector<1024x160xf32> -> vector<1024x160xf32>
    %slice3A_272 = vector.extract_strided_slice %dot_general3A_271 {offsets = [0, 0], sizes = [1024, 159], strides = [1, 1]} : vector<1024x160xf32> to vector<1024x159xf32>
    %broadcast_in_dim3A_273 = vector.shape_cast %reduce_sum3A_264 : vector<1024xf32> to vector<1024x1xf32>
    %div3A_274 = vector.broadcast %broadcast_in_dim3A_273 : vector<1024x1xf32> to vector<1024x159xf32>
    %div3A_275 = arith.divf %slice3A_272, %div3A_274 : vector<1024x159xf32>
    %mul3A_276 = arith.mulf %div3A_275, %div3A_275 : vector<1024x159xf32>
    %reduce_sum3A_277 = arith.constant dense<0.000000e+00> : vector<1024xf32>
    %reduce_sum3A_278 = vector.multi_reduction <add>, %div3A_275, %reduce_sum3A_277 [1] : vector<1024x159xf32> to vector<1024xf32>
    %broadcast_in_dim3A_279 = vector.shape_cast %reduce_sum3A_278 : vector<1024xf32> to vector<1024x1xf32>
    %reduce_sum3A_280 = arith.constant dense<0.000000e+00> : vector<1024xf32>
    %reduce_sum3A_281 = vector.multi_reduction <add>, %mul3A_276, %reduce_sum3A_280 [1] : vector<1024x159xf32> to vector<1024xf32>
    %broadcast_in_dim3A_282 = vector.shape_cast %reduce_sum3A_281 : vector<1024xf32> to vector<1024x1xf32>
    %dot_general3A_283 = arith.constant dense<0.000000e+00> : vector<160x1xf32>
    %dot_general3A_284 = tpu.matmul %convert_element_type3A_10, %broadcast_in_dim3A_279, %dot_general3A_283 {dimension_numbers = #tpu.dot_dimension_numbers<[1], [0], [0], [1], [0, 0, 1, 1], [], []>, transpose_lhs_hint = false} : vector<160x1024xf32>, vector<1024x1xf32>, vector<160x1xf32> -> vector<160x1xf32>
    %squeeze3A_285 = vector.shape_cast %dot_general3A_284 : vector<160x1xf32> to vector<160xf32>
    %dot_general3A_286 = arith.constant dense<0.000000e+00> : vector<160x159xf32>
    %dot_general3A_287 = tpu.matmul %convert_element_type3A_4, %div3A_275, %dot_general3A_286 {dimension_numbers = #tpu.dot_dimension_numbers<[1], [0], [0], [1], [0, 0, 1, 1], [], []>, transpose_lhs_hint = false} : vector<160x1024xf32>, vector<1024x159xf32>, vector<160x159xf32> -> vector<160x159xf32>
    %mul3A_288 = arith.mulf %dot_general3A_287, %convert_element_type3A_17 : vector<160x159xf32>
    %reduce_sum3A_289 = arith.constant dense<0.000000e+00> : vector<160xf32>
    %reduce_sum3A_290 = vector.multi_reduction <add>, %mul3A_288, %reduce_sum3A_289 [1] : vector<160x159xf32> to vector<160xf32>
    %add3A_291 = arith.addf %squeeze3A_285, %reduce_sum3A_290 : vector<160xf32>
    %dot_general3A_292 = arith.constant dense<0.000000e+00> : vector<160x1xf32>
    %dot_general3A_293 = tpu.matmul %convert_element_type3A_10, %broadcast_in_dim3A_282, %dot_general3A_292 {dimension_numbers = #tpu.dot_dimension_numbers<[1], [0], [0], [1], [0, 0, 1, 1], [], []>, transpose_lhs_hint = false} : vector<160x1024xf32>, vector<1024x1xf32>, vector<160x1xf32> -> vector<160x1xf32>
    %squeeze3A_294 = vector.shape_cast %dot_general3A_293 : vector<160x1xf32> to vector<160xf32>
    %dot_general3A_295 = arith.constant dense<0.000000e+00> : vector<160x159xf32>
    %dot_general3A_296 = tpu.matmul %convert_element_type3A_4, %mul3A_276, %dot_general3A_295 {dimension_numbers = #tpu.dot_dimension_numbers<[1], [0], [0], [1], [0, 0, 1, 1], [], []>, transpose_lhs_hint = false} : vector<160x1024xf32>, vector<1024x159xf32>, vector<160x159xf32> -> vector<160x159xf32>
    %mul3A_297 = arith.mulf %dot_general3A_296, %convert_element_type3A_17 : vector<160x159xf32>
    %reduce_sum3A_298 = arith.constant dense<0.000000e+00> : vector<160xf32>
    %reduce_sum3A_299 = vector.multi_reduction <add>, %mul3A_297, %reduce_sum3A_298 [1] : vector<160x159xf32> to vector<160xf32>
    %add3A_300 = arith.addf %squeeze3A_294, %reduce_sum3A_299 : vector<160xf32>
    %slice3A_301 = vector.extract_strided_slice %add3A_291 {offsets = [1], sizes = [159], strides = [1]} : vector<160xf32> to vector<159xf32>
    %slice3A_302 = vector.extract_strided_slice %add3A_291 {offsets = [0], sizes = [159], strides = [1]} : vector<160xf32> to vector<159xf32>
    %sub3A_303 = arith.subf %slice3A_301, %slice3A_302 : vector<159xf32>
    %add3A_304 = arith.addf %add3A_230, %sub3A_303 : vector<159xf32>
    %slice3A_305 = vector.extract_strided_slice %add3A_300 {offsets = [1], sizes = [159], strides = [1]} : vector<160xf32> to vector<159xf32>
    %slice3A_306 = vector.extract_strided_slice %add3A_300 {offsets = [0], sizes = [159], strides = [1]} : vector<160xf32> to vector<159xf32>
    %sub3A_307 = arith.subf %slice3A_305, %slice3A_306 : vector<159xf32>
    %add3A_308 = arith.addf %add3A_234, %sub3A_307 : vector<159xf32>
    %div3A_309 = arith.constant 4.096000e+03 : f32
    %div3A_310 = vector.broadcast %div3A_309 : f32 to vector<159xf32>
    %div3A_311 = arith.divf %add3A_304, %div3A_310 : vector<159xf32>
    %div3A_312 = arith.constant 4.096000e+03 : f32
    %div3A_313 = vector.broadcast %div3A_312 : f32 to vector<159xf32>
    %div3A_314 = arith.divf %add3A_308, %div3A_313 : vector<159xf32>
    %mul3A_315 = arith.mulf %div3A_311, %div3A_311 : vector<159xf32>
    %sub3A_316 = arith.subf %div3A_314, %mul3A_315 : vector<159xf32>
    %max3A = arith.constant 0.000000e+00 : f32
    %max3A_317 = vector.broadcast %max3A : f32 to vector<159xf32>
    %max3A_318 = arith.maximumf %sub3A_316, %max3A_317 : vector<159xf32>
    %get3A_319 = arith.constant 0 : index
    %get3A_320 = vector.load %arg8[%get3A_319] : memref<159xf32, #tpu.memory_space<vmem>>, vector<159xf32>
    %add3A_321 = arith.constant 9.99999974E-6 : f32
    %add3A_322 = vector.broadcast %add3A_321 : f32 to vector<159xf32>
    %add3A_323 = arith.addf %max3A_318, %add3A_322 : vector<159xf32>
    %rsqrt3A = math.rsqrt %add3A_323 : vector<159xf32>
    %mul3A_324 = arith.mulf %get3A_320, %rsqrt3A : vector<159xf32>
    %get3A_325 = arith.constant 0 : index
    %get3A_326 = vector.load %arg9[%get3A_325] : memref<159xf32, #tpu.memory_space<vmem>>, vector<159xf32>
    %mul3A_327 = arith.mulf %div3A_311, %mul3A_324 : vector<159xf32>
    %sub3A_328 = arith.subf %get3A_326, %mul3A_327 : vector<159xf32>
    %iota3A_329 = tpu.iota {dimensions = array<i32: 1>} : vector<1024x159xi32>
    %get3A_330 = arith.constant 0 : index
    %get3A_331 = vector.load %arg12[%get3A_330] : memref<1024xi32, #tpu.memory_space<vmem>>, vector<1024xi32>
    %broadcast_in_dim3A_332 = vector.shape_cast %get3A_331 : vector<1024xi32> to vector<1024x1xi32>
    %eq3A_333 = vector.broadcast %broadcast_in_dim3A_332 : vector<1024x1xi32> to vector<1024x159xi32>
    %eq3A_334 = arith.cmpi eq, %iota3A_329, %eq3A_333 : vector<1024x159xi32>
    %convert_element_type3A_335 = arith.extui %eq3A_334 : vector<1024x159xi1> to vector<1024x159xi32>
    %convert_element_type3A_336 = arith.sitofp %convert_element_type3A_335 : vector<1024x159xi32> to vector<1024x159xf32>
    %get3A_337 = arith.constant 0 : index
    %get3A_338 = vector.load %arg13[%get3A_337] : memref<1024xi32, #tpu.memory_space<vmem>>, vector<1024xi32>
    %broadcast_in_dim3A_339 = vector.shape_cast %get3A_338 : vector<1024xi32> to vector<1024x1xi32>
    %eq3A_340 = vector.broadcast %broadcast_in_dim3A_339 : vector<1024x1xi32> to vector<1024x159xi32>
    %eq3A_341 = arith.cmpi eq, %iota3A_329, %eq3A_340 : vector<1024x159xi32>
    %convert_element_type3A_342 = arith.extui %eq3A_341 : vector<1024x159xi1> to vector<1024x159xi32>
    %convert_element_type3A_343 = arith.sitofp %convert_element_type3A_342 : vector<1024x159xi32> to vector<1024x159xf32>
    %get3A_344 = arith.constant 0 : index
    %get3A_345 = vector.load %arg14[%get3A_344] : memref<1024xi32, #tpu.memory_space<vmem>>, vector<1024xi32>
    %broadcast_in_dim3A_346 = vector.shape_cast %get3A_345 : vector<1024xi32> to vector<1024x1xi32>
    %lt3A_347 = vector.broadcast %broadcast_in_dim3A_346 : vector<1024x1xi32> to vector<1024x159xi32>
    %lt3A_348 = arith.cmpi slt, %iota3A_329, %lt3A_347 : vector<1024x159xi32>
    %stack3A = vector.shape_cast %mul3A_324 : vector<159xf32> to vector<159x1xf32>
    %stack3A_349 = vector.shape_cast %sub3A_328 : vector<159xf32> to vector<159x1xf32>
    %stack3A_350 = tpu.concatenate %stack3A, %stack3A_349 in 1 : vector<159x1xf32>, vector<159x1xf32> -> vector<159x2xf32>
    %dot_general3A_351 = arith.constant dense<0.000000e+00> : vector<1024x2xf32>
    %dot_general3A_352 = tpu.matmul %convert_element_type3A_336, %stack3A_350, %dot_general3A_351 {dimension_numbers = #tpu.dot_dimension_numbers<[1], [0], [0], [1], [0, 0, 1, 1], [], []>, transpose_lhs_hint = false} : vector<1024x159xf32>, vector<159x2xf32>, vector<1024x2xf32> -> vector<1024x2xf32>
    %dot_general3A_353 = arith.constant dense<0.000000e+00> : vector<1024x2xf32>
    %dot_general3A_354 = tpu.matmul %convert_element_type3A_343, %stack3A_350, %dot_general3A_353 {dimension_numbers = #tpu.dot_dimension_numbers<[1], [0], [0], [1], [0, 0, 1, 1], [], []>, transpose_lhs_hint = false} : vector<1024x159xf32>, vector<159x2xf32>, vector<1024x2xf32> -> vector<1024x2xf32>
    %slice3A_355 = vector.extract_strided_slice %dot_general3A_352 {offsets = [0, 0], sizes = [1024, 1], strides = [1, 1]} : vector<1024x2xf32> to vector<1024x1xf32>
    %squeeze3A_356 = vector.shape_cast %slice3A_355 : vector<1024x1xf32> to vector<1024xf32>
    %broadcast_in_dim3A_357 = vector.shape_cast %squeeze3A_356 : vector<1024xf32> to vector<1024x1xf32>
    %slice3A_358 = vector.extract_strided_slice %dot_general3A_354 {offsets = [0, 0], sizes = [1024, 1], strides = [1, 1]} : vector<1024x2xf32> to vector<1024x1xf32>
    %squeeze3A_359 = vector.shape_cast %slice3A_358 : vector<1024x1xf32> to vector<1024xf32>
    %broadcast_in_dim3A_360 = vector.shape_cast %squeeze3A_359 : vector<1024xf32> to vector<1024x1xf32>
    %broadcast_in_dim3A_361 = vector.shape_cast %broadcast_in_dim3A_357 : vector<1024x1xf32> to vector<1024x1xf32>
    %broadcast_in_dim3A_362 = vector.broadcast %broadcast_in_dim3A_361 : vector<1024x1xf32> to vector<1024x159xf32>
    %broadcast_in_dim3A_363 = vector.shape_cast %broadcast_in_dim3A_360 : vector<1024x1xf32> to vector<1024x1xf32>
    %broadcast_in_dim3A_364 = vector.broadcast %broadcast_in_dim3A_363 : vector<1024x1xf32> to vector<1024x159xf32>
    %select_n3A = arith.select %lt3A_348, %broadcast_in_dim3A_362, %broadcast_in_dim3A_364 : vector<1024x159xi1>, vector<1024x159xf32>
    %slice3A_365 = vector.extract_strided_slice %dot_general3A_352 {offsets = [0, 1], sizes = [1024, 1], strides = [1, 1]} : vector<1024x2xf32> to vector<1024x1xf32>
    %squeeze3A_366 = vector.shape_cast %slice3A_365 : vector<1024x1xf32> to vector<1024xf32>
    %broadcast_in_dim3A_367 = vector.shape_cast %squeeze3A_366 : vector<1024xf32> to vector<1024x1xf32>
    %slice3A_368 = vector.extract_strided_slice %dot_general3A_354 {offsets = [0, 1], sizes = [1024, 1], strides = [1, 1]} : vector<1024x2xf32> to vector<1024x1xf32>
    %squeeze3A_369 = vector.shape_cast %slice3A_368 : vector<1024x1xf32> to vector<1024xf32>
    %broadcast_in_dim3A_370 = vector.shape_cast %squeeze3A_369 : vector<1024xf32> to vector<1024x1xf32>
    %broadcast_in_dim3A_371 = vector.shape_cast %broadcast_in_dim3A_367 : vector<1024x1xf32> to vector<1024x1xf32>
    %broadcast_in_dim3A_372 = vector.broadcast %broadcast_in_dim3A_371 : vector<1024x1xf32> to vector<1024x159xf32>
    %broadcast_in_dim3A_373 = vector.shape_cast %broadcast_in_dim3A_370 : vector<1024x1xf32> to vector<1024x1xf32>
    %broadcast_in_dim3A_374 = vector.broadcast %broadcast_in_dim3A_373 : vector<1024x1xf32> to vector<1024x159xf32>
    %select_n3A_375 = arith.select %lt3A_348, %broadcast_in_dim3A_372, %broadcast_in_dim3A_374 : vector<1024x159xi1>, vector<1024x159xf32>
    %mul3A_376 = arith.mulf %div3A_57, %select_n3A : vector<1024x159xf32>
    %add3A_377 = arith.addf %mul3A_376, %select_n3A_375 : vector<1024x159xf32>
    %max3A_378 = arith.constant 0.000000e+00 : f32
    %max3A_379 = vector.broadcast %max3A_378 : f32 to vector<1024x159xf32>
    %max3A_380 = arith.maximumf %add3A_377, %max3A_379 : vector<1024x159xf32>
    %swap3A = arith.constant 0 : index
    %swap3A_381 = arith.constant 0 : index
    %swap3A_382 = arith.constant 0 : index
    %swap3A_383 = vector.load %arg15[%swap3A, %swap3A_381, %swap3A_382] : memref<4x1024x159xf32, #tpu.memory_space<vmem>>, vector<1x1024x159xf32>
    %swap3A_384 = vector.shape_cast %swap3A_383 : vector<1x1024x159xf32> to vector<1024x159xf32>
    %swap3A_385 = vector.shape_cast %max3A_380 : vector<1024x159xf32> to vector<1x1024x159xf32>
    tpu.vector_store %arg15[%swap3A, %swap3A_381, %swap3A_382], %swap3A_385 {strides = array<i32>} : memref<4x1024x159xf32, #tpu.memory_space<vmem>>, vector<1x1024x159xf32>,
    %mul3A_386 = arith.mulf %div3A_127, %select_n3A : vector<1024x159xf32>
    %add3A_387 = arith.addf %mul3A_386, %select_n3A_375 : vector<1024x159xf32>
    %max3A_388 = arith.constant 0.000000e+00 : f32
    %max3A_389 = vector.broadcast %max3A_388 : f32 to vector<1024x159xf32>
    %max3A_390 = arith.maximumf %add3A_387, %max3A_389 : vector<1024x159xf32>
    %swap3A_391 = arith.constant 1 : index
    %swap3A_392 = arith.constant 0 : index
    %swap3A_393 = arith.constant 0 : index
    %swap3A_394 = vector.load %arg15[%swap3A_391, %swap3A_392, %swap3A_393] : memref<4x1024x159xf32, #tpu.memory_space<vmem>>, vector<1x1024x159xf32>
    %swap3A_395 = vector.shape_cast %swap3A_394 : vector<1x1024x159xf32> to vector<1024x159xf32>
    %swap3A_396 = vector.shape_cast %max3A_390 : vector<1024x159xf32> to vector<1x1024x159xf32>
    tpu.vector_store %arg15[%swap3A_391, %swap3A_392, %swap3A_393], %swap3A_396 {strides = array<i32>} : memref<4x1024x159xf32, #tpu.memory_space<vmem>>, vector<1x1024x159xf32>,
    %mul3A_397 = arith.mulf %div3A_201, %select_n3A : vector<1024x159xf32>
    %add3A_398 = arith.addf %mul3A_397, %select_n3A_375 : vector<1024x159xf32>
    %max3A_399 = arith.constant 0.000000e+00 : f32
    %max3A_400 = vector.broadcast %max3A_399 : f32 to vector<1024x159xf32>
    %max3A_401 = arith.maximumf %add3A_398, %max3A_400 : vector<1024x159xf32>
    %swap3A_402 = arith.constant 2 : index
    %swap3A_403 = arith.constant 0 : index
    %swap3A_404 = arith.constant 0 : index
    %swap3A_405 = vector.load %arg15[%swap3A_402, %swap3A_403, %swap3A_404] : memref<4x1024x159xf32, #tpu.memory_space<vmem>>, vector<1x1024x159xf32>
    %swap3A_406 = vector.shape_cast %swap3A_405 : vector<1x1024x159xf32> to vector<1024x159xf32>
    %swap3A_407 = vector.shape_cast %max3A_401 : vector<1024x159xf32> to vector<1x1024x159xf32>
    tpu.vector_store %arg15[%swap3A_402, %swap3A_403, %swap3A_404], %swap3A_407 {strides = array<i32>} : memref<4x1024x159xf32, #tpu.memory_space<vmem>>, vector<1x1024x159xf32>,
    %mul3A_408 = arith.mulf %div3A_275, %select_n3A : vector<1024x159xf32>
    %add3A_409 = arith.addf %mul3A_408, %select_n3A_375 : vector<1024x159xf32>
    %max3A_410 = arith.constant 0.000000e+00 : f32
    %max3A_411 = vector.broadcast %max3A_410 : f32 to vector<1024x159xf32>
    %max3A_412 = arith.maximumf %add3A_409, %max3A_411 : vector<1024x159xf32>
    %swap3A_413 = arith.constant 3 : index
    %swap3A_414 = arith.constant 0 : index
    %swap3A_415 = arith.constant 0 : index
    %swap3A_416 = vector.load %arg15[%swap3A_413, %swap3A_414, %swap3A_415] : memref<4x1024x159xf32, #tpu.memory_space<vmem>>, vector<1x1024x159xf32>
    %swap3A_417 = vector.shape_cast %swap3A_416 : vector<1x1024x159xf32> to vector<1024x159xf32>
    %swap3A_418 = vector.shape_cast %max3A_412 : vector<1024x159xf32> to vector<1x1024x159xf32>
    tpu.vector_store %arg15[%swap3A_413, %swap3A_414, %swap3A_415], %swap3A_418 {strides = array<i32>} : memref<4x1024x159xf32, #tpu.memory_space<vmem>>, vector<1x1024x159xf32>,
    return
  }
}

</mosaic_0001>

<sc_bundles>
// kernel: kernel.10.cloned.1.call-start
scs
__scs_entry_jumppad:
0x0: {  	(pc) =	sbr.rel $0x88, $3  }
0x1: {  	(tag) =	ssettag $0x0;
	lr =	simm.s32 $0x1  }
0x2: {  	[smem:$0x3F9D] =	sst lr;
	_ =	strace $0xD0000000  }
0x3: {  	_ = 	snop  }
0x4: {  	_ = 	snop  }
0x5: {  	_ = 	snop  }
0x6: {  	_ = 	snop  }
0x7: {  	_ = 	snop  }
__scs_overlays_trampoline_lowered:
0x8: {  	[smem:$0x3FAC] =	sst s0  }
0x9: {  	[smem:$0x3FAD] =	sst s1  }
0xa: {  	[smem:$0x3FAE] =	sst s2  }
0xb: {  	[smem:$0x3FAF] =	sst s3  }
0xc: {  	[smem:$0x3FB0] =	sst s4  }
0xd: {  	[smem:$0x3FB1] =	sst s5  }
0xe: {  	[smem:$0x3FB2] =	sst s6  }
0xf: {  	[smem:$0x3FB3] =	sst s7  }
0x10: {  	[smem:$0x3FB4] =	sst s8  }
0x11: {  	[smem:$0x3FB5] =	sst s9;
	s0 =	simm.s32 @!p0 $0x0  }
0x12: {  	s1 =	sld [smem:$0x3F9B];
	s0 =	simm.s32 @p0 $0x1  }
0x13: {  	[smem:$0x3FB6] =	sst s0;
	s0 =	simm.s32 @!p1 $0x0  }
0x14: {  	s2 =	sld [smem:$0x3F9A];
	s0 =	simm.s32 @p1 $0x1  }
0x15: {  	[smem:$0x3FB7] =	sst s0;
	s0 =	simm.s32 @!p2 $0x0  }
0x16: {  	s3 =	sld [smem:$0x3FDB];
	s0 =	simm.s32 @p2 $0x1  }
0x17: {  	s4 =	simm.s32 $0x1BF5;
	[smem:$0x3FB9] =	sst s0  }
0x18: {  	s0 =	sld [smem:$0x3F9C];
	_ =	swait.ge [sflag:s4], $0x0  }
0x19: {  	s7 =	sld [smem:$0x3F9D]  }
0x1a: {  	s8 =	sadd.s32 $0xFFFFE003, lr  }
0x1b: {  	s9 =	sadd.s32 $0xFFFFFEF7, lr;
	s5 =	simm.s32 $0xFFFFFFFF;
	p2 =	slt.u32 s8, $0xFFFFF086  }
0x1c: {  	p1 =	slt.u32 s9, $0xF7A;
	s5 =	simm.s32 @!p2 $0x0  }
0x1d: {  	s5 =	simm.s32 @p1 $0x1;
	p0 =	seq.s32 s7, s2  }
0x1e: {  	s7 =	smul.u32 @!p0 $0xF7A, s2;
	p2 =	seq.s32 @!p0 s5, $0x0  }
0x1f: {  	s9 =	smul.u32 $0xF7A, s1;
	s8 =	simm.s32 @!p0 $0x1BF5;
	p2 =	por !p2, p0  }
0x20: {  	[sflag:s8] =	ssyncset.s32 @!p0 $0xFFFFF086;
	s6 =	sadd.s32 @!p0 s3, s7;
	s7 =	simm.s32 @!p0 $0x108  }
0x21: {  	s3 =	sadd.s32 s3, s9;
	s6 =	sadd.s32 @!p0 $0x88, s6;
	s7 =	simm.s32 @p2 $0x1082  }
0x22: {  	[simem:s7], [sflag:s8] =	dma.local @!p0 [hbm:s6], $0xF7A  }
0x23: {  	s9 =	sor.u32 $0xD0000000, s2;
	s6 =	simm.s32 $0x108;
	_ =	swait.ge @!p0 [sflag:s8], $0x0  }
0x24: {  	s3 =	sadd.s32 $0x88, s3;
	s6 =	simm.s32 @!p1 $0x1082;
	[sflag:s4] =	ssyncset.s32 $0xFFFFF086  }
0x25: {  	[simem:s6], [sflag:s4] =	dma.local [hbm:s3], $0xF7A  }
0x26: {  	[smem:$0x3F9D] =	sst s1;
	(tag) =	ssettag s2;
	_ =	strace s9  }
0x27: {  	s1 =	sld [smem:$0x3FAD]  }
0x28: {  	s2 =	sld [smem:$0x3FAE]  }
0x29: {  	s4 =	sld [smem:$0x3FB0]  }
0x2a: {  	p0 =	seq.s32 s5, $0x0;
	s5 =	sld [smem:$0x3FB1]  }
0x2b: {  	s6 =	sld [smem:$0x3FB2]  }
0x2c: {  	s7 =	sld [smem:$0x3FB3]  }
0x2d: {  	s3 =	simm.s32 $0x108;
	s8 =	sld [smem:$0x3FB4]  }
0x2e: {  	s3 =	simm.s32 @!p0 $0x1082;
	s9 =	sld [smem:$0x3FB5]  }
0x2f: {  	lr =	sadd.s32 s0, s3;
	s0 =	sld [smem:$0x3FAC]  }
0x30: {  	s3 =	sld [smem:$0x3FAF]  }
0x31: {  	[smem:$0x3FB8] =	sst s10  }
0x32: {  	s10 =	sld [smem:$0x3FB6];
	_ =	sdelay $0x3  }
0x33: {  	p0 =	seq.s32 s10, $0x1;
	s10 =	sld [smem:$0x3FB8];
	_ =	sdelay $0x3  }
0x34: {  	[smem:$0x3FB8] =	sst s10  }
0x35: {  	s10 =	sld [smem:$0x3FB7];
	_ =	sdelay $0x3  }
0x36: {  	p1 =	seq.s32 s10, $0x1;
	s10 =	sld [smem:$0x3FB8];
	_ =	sdelay $0x3  }
0x37: {  	[smem:$0x3FB8] =	sst s10  }
0x38: {  	s10 =	sld [smem:$0x3FB9]  }
0x39: {  	_ = 	snop;
	(pc) =	sbr.ind lr, $3  }
0x3a: {  	_ = 	snop  }
0x3b: {  	_ = 	snop  }
0x3c: {  	p2 =	seq.s32 s10, $0x1;
	s10 =	sld [smem:$0x3FB8]  }
0x3d: {  	_ =	shalt  }
0x3e: {  	_ =	shalt  }
0x3f: {  	_ =	shalt  }
0x40: {  	_ =	shalt  }
0x41: {  	_ =	shalt  }
0x42: {  	_ =	shalt  }
0x43: {  	_ =	shalt  }
0x44: {  	_ =	shalt  }
0x45: {  	_ =	shalt  }
0x46: {  	_ =	shalt  }
0x47: {  	_ =	shalt  }
0x48: {  	_ =	shalt  }
0x49: {  	_ =	shalt  }
0x4a: {  	_ =	shalt  }
0x4b: {  	_ =	shalt  }
0x4c: {  	_ =	shalt  }
0x4d: {  	_ =	shalt  }
0x4e: {  	_ =	shalt  }
0x4f: {  	_ =	shalt  }
0x50: {  	_ =	shalt  }
0x51: {  	_ =	shalt  }
0x52: {  	_ =	shalt  }
0x53: {  	_ =	shalt  }
0x54: {  	_ =	shalt  }
0x55: {  	_ =	shalt  }
0x56: {  	_ =	shalt  }
0x57: {  	_ =	shalt  }
0x58: {  	_ =	shalt  }
0x59: {  	_ =	shalt  }
0x5a: {  	_ =	shalt  }
0x5b: {  	_ =	shalt  }
0x5c: {  	_ =	shalt  }
0x5d: {  	_ =	shalt  }
0x5e: {  	_ =	shalt  }
0x5f: {  	_ =	shalt  }
0x60: {  	_ =	shalt  }
0x61: {  	_ =	shalt  }
0x62: {  	_ =	shalt  }
0x63: {  	_ =	shalt  }
0x64: {  	_ =	shalt  }
0x65: {  	_ =	shalt  }
0x66: {  	_ =	shalt  }
0x67: {  	_ =	shalt  }
0x68: {  	_ =	shalt  }
0x69: {  	_ =	shalt  }
0x6a: {  	_ =	shalt  }
0x6b: {  	_ =	shalt  }
0x6c: {  	_ =	shalt  }
0x6d: {  	_ =	shalt  }
0x6e: {  	_ =	shalt  }
0x6f: {  	_ =	shalt  }
0x70: {  	_ =	shalt  }
0x71: {  	_ =	shalt  }
0x72: {  	_ =	shalt  }
0x73: {  	_ =	shalt  }
0x74: {  	_ =	shalt  }
0x75: {  	_ =	shalt  }
0x76: {  	_ =	shalt  }
0x77: {  	_ =	shalt  }
0x78: {  	_ =	shalt  }
0x79: {  	_ =	shalt  }
0x7a: {  	_ =	shalt  }
0x7b: {  	_ =	shalt  }
0x7c: {  	_ =	shalt  }
0x7d: {  	_ =	shalt  }
0x7e: {  	_ =	shalt  }
0x7f: {  	_ =	shalt  }
0x80: {  	_ =	shalt  }
0x81: {  	_ =	shalt  }
0x82: {  	_ =	shalt  }
0x83: {  	_ =	shalt  }
0x84: {  	_ =	shalt  }
0x85: {  	_ =	shalt  }
0x86: {  	_ =	shalt  }
0x87: {  	_ =	shalt  }
.Lfunc_end0:
.L_simem_size_0:
called_computation.1_lowered:
.L_overlay_start_0:
0x88: {  	s2 =	sld [smem:$0x3FD9]  }
0x89: {  	s3 =	sld [smem:$0x3FFE];
	_ =	sdelay $0x1  }
0x8a: {  	s1 =	srdreg.scid  }
0x8b: {  	s0 =	sand.u32 $0x1, s1  }
0x8c: {  	s16 =	sshll.u32 s0, $0xA;
	s2 =	sadd.s32 s3, s2  }
0x8d: {  	s2 =	sadd.s32 s2, s16  }
0x8e: {  	[smem:$0x3FC4] =	sst s2  }
0x8f: {  	_ = 	snop  }
0x90: {  	(tm) =	ssettm $0x1  }
0x91: {  	s17 =	sld [smem:$0x3FFB];
	_ =	sdelay $0x3  }
0x92: {  	_ =	strace s17  }
0x93: {  	s2 =	sld [smem:$0x3FFC];
	_ =	sdelay $0x3  }
0x94: {  	_ =	strace s2  }
0x95: {  	s2 =	sld [smem:$0x3FFD];
	_ =	sdelay $0x3  }
0x96: {  	_ =	strace s2  }
0x97: {  	_ =	strace $0x8FFFFFFF  }
0x98: {  	s18 =	sld [smem:$0x3FDB];
	_ =	sdelay $0x1  }
0x99: {  	s19 =	simm.s32 $_scs_section_size  }
0x9a: {  	s4 =	simm.s32 $_size__tile_overlayer_lowered;
	s5 =	simm.s32 $_tile_overlayer_lowered  }
0x9b: {  	s22 =	simm.s32 $0x1BFF;
	s21 =	sshll.u32 s5, $0x1;
	s2 =	sadd.s32 s19, s18  }
0x9c: {  	s6 =	simm.s32 $0x0;
	s20 =	sshll.u32 s4, $0x1;
	s4 =	sadd.s32 s21, s2  }
0x9d: {  	[timem:s6], [sflag:s22] =	dma.local [hbm:s4], s20  }
0x9e: {  	_ =	swait.ge [sflag:s22], s20  }
0x9f: {  	s3 =	ssub.s32 $0x0, s20;
	[sflag:s22] =	ssyncset.done $0x0  }
0xa0: {  	[sflag:s22] =	ssyncadd.s32 s3;
	_ =	sdelay $0x1  }
0xa1: {  	s23 =	simm.s32 $0x1B8B  }
0xa2: {  	_ =	swait.ge [sflag:s23], $0x1  }
0xa3: {  	[sflag:s23] =	ssyncset.done $0x0  }
0xa4: {  	s25 =	simm.s32 $0x1B8E;
	s24 =	sld [smem:$0x3FFE];
	[sflag:s23] =	ssyncadd.s32 $0xFFFFFFFF  }
0xa5: {  	s26 =	simm.s32 $execute0_lowered;
	[smem:$0x3FD2] =	sst s25  }
0xa6: {  	s4 =	sshll.u32 s26, $0x1;
	_ =	strace $0x80000046;
	[dreg:$0x1] =	wrdreg $0xFFFFFFFF  }
0xa7: {  	s28 =	simm.s32 $_size_execute0_lowered;
	s2 =	sadd.s32 s2, s4;
	[dreg:$0x0] =	wrdreg $0x0  }
0xa8: {  	s4 =	sshll.u32 s28, $0x1;
	[dreg:$0x2] =	wrdreg s2  }
0xa9: {  	[dreg:$0x3] =	wrdreg s4  }
0xaa: {  	[dreg:$0x4] =	wrdreg $0xC0  }
0xab: {  	_ =	task [dreg:s6], $0x5FFFF  }
0xac: {  	[dreg:$0x1] =	wrdreg $0xFFFFFFFF  }
0xad: {  	[dreg:$0x0] =	wrdreg $0x60  }
0xae: {  	[dreg:$0x2] =	wrdreg s24  }
0xaf: {  	[dreg:$0x3] =	wrdreg $0xA  }
0xb0: {  	_ =	task.clear_ibuf [dreg:s6], $0x4FFFF;
	_ =	strace $0x90000046  }
0xb1: {  	s29 =	simm.s32 $0xA;
	_ =	strace $0x80000048  }
0xb2: {  	_ =	swait.ge [sflag:s29], $0x1  }
0xb3: {  	[sflag:s29] =	ssyncadd.s32 $0xFFFFFFFF  }
0xb4: {  	_ =	strace $0x90000048  }
0xb5: {  	_ =	sfence  }
0xb6: {  	s30 =	sld [smem:$0x0];
	_ =	sdelay $0x2  }
0xb7: {  	s31 =	sshll.u32 s1, $0xD;
	s1 =	sshrl.u32 s1, $0x2  }
0xb8: {  	s3 =	sand.u32 $0x4000, s31;
	s1 =	sadd.s32 s1, s30  }
0xb9: {  	s0 =	sor.u32 s3, s0;
	s1 =	sshll.u32 s1, $0x11  }
0xba: {  	s0 =	sor.u32 s1, s0  }
0xbb: {  	s0 =	sadd.s32 $0x8F2B, s0  }
0xbc: {  	[sflag:s0] =	ssyncadd.remote.s32 $0x1  }
0xbd: {  	_ =	sfence.sel $0xFFFF  }
0xbe: {  	[dreg:$0x0] =	wrdreg $0xFFFFFFFF;
	(pc) =	sbr.abs _section_cstart, $3  }
0xbf: {  	[dreg:$0x1] =	wrdreg $0xFFFFFFFF  }
0xc0: {  	_ =	task.clear_ibuf [dreg:s6], $0x2FFFF;
	_ =	strace $0x9FFFFFFF  }
0xc1: {  	(tm) =	ssettm $0x7FFFFFFF  }
tec
execute0_lowered:
.L_overlay_start_1:
0x0: {  	(tag) =	ssettag $0x1  }
0x1: {  	s0 =	rddreg [dreg:$0x0]  }
0x2: {  	s1 =	srdreg.scid;
	s5 =	stileid.u32  }
0x3: {  	s2 =	simm.s32 $0x0;
	s10 =	simm.s32 $0x8100;
	s11 =	simm.s32 $0x1  }
0x4: {  	s12 =	simm.s32 $0x2;
	s16 =	simm.s32 $0x1900;
	s17 =	simm.s32 $0x2100  }
0x5: {  	s18 =	simm.s32 $0x2900;
	s19 =	simm.s32 $0x3100;
	s20 =	simm.s32 $0x3900  }
0x6: {  	s21 =	simm.s32 $0x4100;
	s28 =	simm.s32 $0x7100;
	s29 =	simm.s32 $0x7900  }
0x7: {  	s30 =	simm.s32 $0x3;
	s31 =	simm.s32 $0x4;
	s1 =	sand.u32 $0x1, s1  }
0x8: {  	s3 =	sshll.u32 s5, $0x1;
	s22 =	sshrl.u32 s5, $0x3;
	[smem:$0x7FF] =	sst s2  }
0x9: {  	s4 =	sor.u32 s1, s3;
	s6 =	sshll.u32 s22, $0xA;
	_ =	strace $0x80000047  }
0xa: {  	s3 =	sshll.u32 s22, $0x12;
	s1 =	ssub.s32 $0x2, s1;
	s22 =	simm.s32 $0x4900  }
0xb: {  	s23 =	sshll.u32 s4, $0x6;
	s4 =	sshll.u32 s4, $0xB;
	s26 =	sshrl.u32 s1, $0x1  }
0xc: {  	s7 =	ssub.s32 s23, s6;
	s5 =	sand.u32 $0x40, s23;
	s1 =	ssub.s32 s1, s26  }
0xd: {  	s23 =	simm.s32 $0x5100;
	s8 =	sshll.u32 s7, $0x8;
	s7 =	sand.u32 $0xFFFFFF80, s7  }
0xe: {  	s26 =	simm.s32 $0x6900;
	s8 =	sadd.s32 s3, s8;
	s6 =	sadd.s32 s6, s7  }
0xf: {  	s3 =	sadd.s32 $0x3000, s0;
	s24 =	sshrl.u32 s8, $0x3;
	s5 =	sor.u32 s5, s6  }
0x10: {  	s8 =	smax.u32 s1, $0x1;
	s25 =	sadd.s32 s24, s0;
	s5 =	sshrl.u32 s5, $0x3  }
0x11: {  	v2 =	vlaneseq.u32;
	s24 =	simm.s32 $0x5900;
	s5 =	sadd.s32 s5, s0;
	s0 =	sadd.s32 s4, s0  }
0x12: {  	vm0 =	vmmov $0xffff;
	v1 =	vshrl.u32 v2, $0x3;
	s6 =	sadd.s32 $0x23000, s25;
	s25 =	simm.s32 $0x6100;
	s4 =	sadd.s32 $0x33200, s5  }
0x13: {  	v0 =	vand.u32 $0x7, v2;
	v2 =	vor.u32 $0x8, v2;
	v1 =	vmul.u32 $0x8, v1;
	s5 =	sadd.s32 $0x33000, s5;
	s7 =	sadd.s32 $0x33400, s0;
	s0 =	simm.s32 $0x0  }
.LBB2_1:
0x14: {  	[tilespmem:s2], [sflag:$0x1] =	stream.linear.gather [hbm4b:s4+s2], $0x40, $0x38;
	[tilespmem:$0xC100] =	vst v63  }
0x15: {  	s1 =	simm.s32 $0x80  }
0x16: {  	[tilespmem:s1], [sflag:$0x2] =	stream.linear.gather [hbm4b:s5+s2], $0x40, $0x38;
	[tilespmem:$0xC100] =	vst v63  }
0x17: {  	_ = 	snop  }
0x18: {  	[tilespmem:s10], [sflag:$0x3] =	stream.linear.gather [hbm4b:s6+s2], $0x4000, $0x38;
	[tilespmem:$0xC100] =	vst v63  }
0x19: {  	_ =	swait.ge [sflag:s11], $0x40  }
0x1a: {  	[sflag:s11] =	ssyncset.done $0x0  }
0x1b: {  	[sflag:s11] =	ssyncadd.s32 $0xFFFFFFC0  }
0x1c: {  	_ =	swait.ge [sflag:s12], $0x40  }
0x1d: {  	[sflag:s12] =	ssyncset.done $0x0  }
0x1e: {  	[sflag:s12] =	ssyncadd.s32 $0xFFFFFFC0  }
0x1f: {  	v3 =	vld [tilespmem:$0x0];
	_ =	sdelay $0x4  }
0x20: {  	v4 =	vshll.u32 v3, $0x1  }
0x21: {  	v3 =	vand.u32 $0x7, v3;
	v4 =	vand.u32 $0xFFFFFFF0, v4  }
0x22: {  	v3 =	vor.u32 v3, v4  }
0x23: {  	v4 =	vperm.xlane v3, v0;
	_ =	sdelay $0x1  }
0x24: {  	v3 =	vperm.xlane v3, v2;
	v4 =	vadd.s32 v1, v4;
	_ =	sdelay $0x1  }
0x25: {  	v3 =	vadd.s32 v1, v3;
	_ =	sdelay $0x1  }
0x26: {  	s9 =	simm.s32 $0x100  }
0x27: {  	[tilespmem:s9], [sflag:$0x1] =	stream.indirect_vreg.gather [hbm4b:s3+s2], $0x80, v4, vm0, $0xb8;
	[tilespmem:$0xC100] =	vst v63  }
0x28: {  	s13 =	simm.s32 $0x900  }
0x29: {  	[tilespmem:s13], [sflag:$0x1] =	stream.indirect_vreg.gather [hbm4b:s3+s2], $0x80, v3, vm0, $0xb8;
	[tilespmem:$0xC100] =	vst v63  }
0x2a: {  	v3 =	vld [tilespmem:$0x10];
	_ =	sdelay $0x4  }
0x2b: {  	v4 =	vshll.u32 v3, $0x1  }
0x2c: {  	v3 =	vand.u32 $0x7, v3;
	v4 =	vand.u32 $0xFFFFFFF0, v4  }
0x2d: {  	v3 =	vor.u32 v3, v4  }
0x2e: {  	v4 =	vperm.xlane v3, v0;
	_ =	sdelay $0x1  }
0x2f: {  	v3 =	vperm.xlane v3, v2;
	v4 =	vadd.s32 v1, v4;
	_ =	sdelay $0x1  }
0x30: {  	v3 =	vadd.s32 v1, v3;
	_ =	sdelay $0x1  }
0x31: {  	s14 =	simm.s32 $0x1100  }
0x32: {  	[tilespmem:s14], [sflag:$0x1] =	stream.indirect_vreg.gather [hbm4b:s3+s2], $0x80, v4, vm0, $0xb8;
	[tilespmem:$0xC100] =	vst v63  }
0x33: {  	_ = 	snop  }
0x34: {  	[tilespmem:s16], [sflag:$0x1] =	stream.indirect_vreg.gather [hbm4b:s3+s2], $0x80, v3, vm0, $0xb8;
	[tilespmem:$0xC100] =	vst v63  }
0x35: {  	v3 =	vld [tilespmem:$0x20];
	_ =	sdelay $0x4  }
0x36: {  	v4 =	vshll.u32 v3, $0x1  }
0x37: {  	v3 =	vand.u32 $0x7, v3;
	v4 =	vand.u32 $0xFFFFFFF0, v4  }
0x38: {  	v3 =	vor.u32 v3, v4  }
0x39: {  	v4 =	vperm.xlane v3, v0;
	_ =	sdelay $0x1  }
0x3a: {  	v3 =	vperm.xlane v3, v2;
	v4 =	vadd.s32 v1, v4;
	_ =	sdelay $0x1  }
0x3b: {  	v3 =	vadd.s32 v1, v3;
	_ =	sdelay $0x2  }
0x3c: {  	[tilespmem:s17], [sflag:$0x1] =	stream.indirect_vreg.gather [hbm4b:s3+s2], $0x80, v4, vm0, $0xb8;
	[tilespmem:$0xC100] =	vst v63  }
0x3d: {  	_ = 	snop  }
0x3e: {  	[tilespmem:s18], [sflag:$0x1] =	stream.indirect_vreg.gather [hbm4b:s3+s2], $0x80, v3, vm0, $0xb8;
	[tilespmem:$0xC100] =	vst v63  }
0x3f: {  	v3 =	vld [tilespmem:$0x30];
	_ =	sdelay $0x4  }
0x40: {  	v4 =	vshll.u32 v3, $0x1  }
0x41: {  	v3 =	vand.u32 $0x7, v3;
	v4 =	vand.u32 $0xFFFFFFF0, v4  }
0x42: {  	v3 =	vor.u32 v3, v4  }
0x43: {  	v4 =	vperm.xlane v3, v0;
	_ =	sdelay $0x1  }
0x44: {  	v3 =	vperm.xlane v3, v2;
	v4 =	vadd.s32 v1, v4;
	_ =	sdelay $0x1  }
0x45: {  	v3 =	vadd.s32 v1, v3;
	_ =	sdelay $0x2  }
0x46: {  	[tilespmem:s19], [sflag:$0x1] =	stream.indirect_vreg.gather [hbm4b:s3+s2], $0x80, v4, vm0, $0xb8;
	[tilespmem:$0xC100] =	vst v63  }
0x47: {  	_ = 	snop  }
0x48: {  	[tilespmem:s20], [sflag:$0x1] =	stream.indirect_vreg.gather [hbm4b:s3+s2], $0x80, v3, vm0, $0xb8;
	[tilespmem:$0xC100] =	vst v63  }
0x49: {  	v3 =	vld [tilespmem:$0x80];
	_ =	sdelay $0x4  }
0x4a: {  	v4 =	vshll.u32 v3, $0x1  }
0x4b: {  	v3 =	vand.u32 $0x7, v3;
	v4 =	vand.u32 $0xFFFFFFF0, v4  }
0x4c: {  	v3 =	vor.u32 v3, v4  }
0x4d: {  	v4 =	vperm.xlane v3, v0;
	_ =	sdelay $0x1  }
0x4e: {  	v3 =	vperm.xlane v3, v2;
	v4 =	vadd.s32 v1, v4;
	_ =	sdelay $0x1  }
0x4f: {  	v3 =	vadd.s32 v1, v3;
	_ =	sdelay $0x2  }
0x50: {  	[tilespmem:s21], [sflag:$0x2] =	stream.indirect_vreg.gather [hbm4b:s3+s2], $0x80, v4, vm0, $0xb8;
	[tilespmem:$0xC100] =	vst v63  }
0x51: {  	_ = 	snop  }
0x52: {  	[tilespmem:s22], [sflag:$0x2] =	stream.indirect_vreg.gather [hbm4b:s3+s2], $0x80, v3, vm0, $0xb8;
	[tilespmem:$0xC100] =	vst v63  }
0x53: {  	v3 =	vld [tilespmem:$0x90];
	_ =	sdelay $0x4  }
0x54: {  	v4 =	vshll.u32 v3, $0x1  }
0x55: {  	v3 =	vand.u32 $0x7, v3;
	v4 =	vand.u32 $0xFFFFFFF0, v4  }
0x56: {  	v3 =	vor.u32 v3, v4  }
0x57: {  	v4 =	vperm.xlane v3, v0;
	_ =	sdelay $0x1  }
0x58: {  	v3 =	vperm.xlane v3, v2;
	v4 =	vadd.s32 v1, v4;
	_ =	sdelay $0x1  }
0x59: {  	v3 =	vadd.s32 v1, v3;
	_ =	sdelay $0x2  }
0x5a: {  	[tilespmem:s23], [sflag:$0x2] =	stream.indirect_vreg.gather [hbm4b:s3+s2], $0x80, v4, vm0, $0xb8;
	[tilespmem:$0xC100] =	vst v63  }
0x5b: {  	_ = 	snop  }
0x5c: {  	[tilespmem:s24], [sflag:$0x2] =	stream.indirect_vreg.gather [hbm4b:s3+s2], $0x80, v3, vm0, $0xb8;
	[tilespmem:$0xC100] =	vst v63  }
0x5d: {  	v3 =	vld [tilespmem:$0xA0];
	_ =	sdelay $0x4  }
0x5e: {  	v4 =	vshll.u32 v3, $0x1  }
0x5f: {  	v3 =	vand.u32 $0x7, v3;
	v4 =	vand.u32 $0xFFFFFFF0, v4  }
0x60: {  	v3 =	vor.u32 v3, v4  }
0x61: {  	v4 =	vperm.xlane v3, v0;
	_ =	sdelay $0x1  }
0x62: {  	v3 =	vperm.xlane v3, v2;
	v4 =	vadd.s32 v1, v4;
	_ =	sdelay $0x1  }
0x63: {  	v3 =	vadd.s32 v1, v3;
	_ =	sdelay $0x2  }
0x64: {  	[tilespmem:s25], [sflag:$0x2] =	stream.indirect_vreg.gather [hbm4b:s3+s2], $0x80, v4, vm0, $0xb8;
	[tilespmem:$0xC100] =	vst v63  }
0x65: {  	_ = 	snop  }
0x66: {  	[tilespmem:s26], [sflag:$0x2] =	stream.indirect_vreg.gather [hbm4b:s3+s2], $0x80, v3, vm0, $0xb8;
	[tilespmem:$0xC100] =	vst v63  }
0x67: {  	v3 =	vld [tilespmem:$0xB0];
	_ =	sdelay $0x4  }
0x68: {  	v4 =	vshll.u32 v3, $0x1  }
0x69: {  	v3 =	vand.u32 $0x7, v3;
	v4 =	vand.u32 $0xFFFFFFF0, v4  }
0x6a: {  	v3 =	vor.u32 v3, v4  }
0x6b: {  	v4 =	vperm.xlane v3, v0;
	_ =	sdelay $0x1  }
0x6c: {  	v3 =	vperm.xlane v3, v2;
	v4 =	vadd.s32 v1, v4;
	_ =	sdelay $0x1  }
0x6d: {  	v3 =	vadd.s32 v1, v3;
	_ =	sdelay $0x2  }
0x6e: {  	[tilespmem:s28], [sflag:$0x2] =	stream.indirect_vreg.gather [hbm4b:s3+s2], $0x80, v4, vm0, $0xb8;
	[tilespmem:$0xC100] =	vst v63  }
0x6f: {  	_ = 	snop  }
0x70: {  	[tilespmem:s29], [sflag:$0x2] =	stream.indirect_vreg.gather [hbm4b:s3+s2], $0x80, v3, vm0, $0xb8;
	[tilespmem:$0xC100] =	vst v63  }
0x71: {  	_ =	swait.ge [sflag:s11], $0x4000  }
0x72: {  	[sflag:s11] =	ssyncset.done $0x0  }
0x73: {  	[sflag:s11] =	ssyncadd.s32 $0xFFFFC000  }
0x74: {  	_ =	swait.ge [sflag:s12], $0x4000  }
0x75: {  	[sflag:s12] =	ssyncset.done $0x0  }
0x76: {  	[sflag:s12] =	ssyncadd.s32 $0xFFFFC000  }
0x77: {  	_ =	swait.ge [sflag:s30], $0x4000  }
0x78: {  	s15 =	sand.u32 $0x3800, s2;
	s9 =	sand.u32 $0x380, s2;
	[sflag:s30] =	ssyncset.done $0x0  }
0x79: {  	s1 =	sor.u32 s9, s15;
	[sflag:s30] =	ssyncadd.s32 $0xFFFFC000  }
0x7a: {  	v17 =	vld [tilespmem:s1+$0x4100]  }
0x7b: {  	v9 =	vld [tilespmem:s1+$0x4110]  }
0x7c: {  	v8 =	vld [tilespmem:s1+$0x4120]  }
0x7d: {  	v7 =	vld [tilespmem:s1+$0x4130]  }
0x7e: {  	v6 =	vld [tilespmem:s1+$0x4140]  }
0x7f: {  	v5 =	vld [tilespmem:s1+$0x4150]  }
0x80: {  	v4 =	vld [tilespmem:s1+$0x4160]  }
0x81: {  	v3 =	vld [tilespmem:s1+$0x4170]  }
0x82: {  	v18 =	vld [tilespmem:s1+$0x100]  }
0x83: {  	v22 =	vld [tilespmem:s1+$0x110]  }
0x84: {  	v25 =	vld [tilespmem:s1+$0x120]  }
0x85: {  	v16 =	vld [tilespmem:s1+$0x130]  }
0x86: {  	v15 =	vld [tilespmem:s1+$0x140]  }
0x87: {  	v14 =	vld [tilespmem:s1+$0x150]  }
0x88: {  	v13 =	vld [tilespmem:s1+$0x160]  }
0x89: {  	v12 =	vld [tilespmem:s1+$0x170]  }
0x8a: {  	v11 =	vld [tilespmem:s1+$0x500]  }
0x8b: {  	v10 =	vld [tilespmem:s1+$0x510]  }
0x8c: {  	v19 =	vld [tilespmem:s1+$0x8100]  }
0x8d: {  	v23 =	vld [tilespmem:s1+$0x8110]  }
0x8e: {  	v26 =	vld [tilespmem:s1+$0x8120]  }
0x8f: {  	v21 =	vld [tilespmem:s1+$0x8130]  }
0x90: {  	v20 =	vld [tilespmem:s1+$0x8140]  }
0x91: {  	v27 =	vadd.f32 v18, v19;
	v19 =	vld [tilespmem:s1+$0x8150]  }
0x92: {  	v24 =	vadd.f32 v22, v23;
	v18 =	vld [tilespmem:s1+$0x8160]  }
0x93: {  	s9 =	simm.s32 $0x100;
	s13 =	simm.s32 $0x0;
	v22 =	vadd.f32 v25, v26;
	v23 =	vadd.f32 v17, v27;
	v17 =	vld [tilespmem:s1+$0x8170]  }
.LBB2_2:
0x94: {  	p0 =	sne.s32 s9, $0x3F00;
	v9 =	vadd.f32 v9, v24;
	v16 =	vadd.f32 v16, v21;
	v21 =	vld [tilespmem:s1+$0x8500]  }
0x95: {  	s13 =	sadd.s32 $0x80, s13;
	[tilespmem:s1+$0x8100] =	vst v23;
	v8 =	vadd.f32 v8, v22;
	v15 =	vadd.f32 v15, v20;
	v20 =	vld [tilespmem:s1+$0x8510]  }
0x96: {  	s14 =	sand.u32 $0x3800, s9;
	s15 =	sand.u32 $0x380, s13;
	[tilespmem:s1+$0x8110] =	vst v9;
	v7 =	vadd.f32 v7, v16;
	v9 =	vadd.f32 v14, v19;
	v14 =	vld [tilespmem:s1+$0x4500]  }
0x97: {  	s14 =	sor.u32 s15, s14;
	[tilespmem:s1+$0x8120] =	vst v8;
	v6 =	vadd.f32 v6, v15;
	v8 =	vadd.f32 v13, v18;
	v13 =	vld [tilespmem:s1+$0x4510]  }
0x98: {  	v22 =	vld [tilespmem:s14+$0x4100];
	[tilespmem:s1+$0x8130] =	vst v7;
	v5 =	vadd.f32 v5, v9;
	v7 =	vadd.f32 v12, v17  }
0x99: {  	v9 =	vld [tilespmem:s14+$0x4110];
	[tilespmem:s1+$0x8140] =	vst v6;
	v4 =	vadd.f32 v4, v8;
	v6 =	vadd.f32 v11, v21  }
0x9a: {  	v8 =	vld [tilespmem:s14+$0x4120];
	[tilespmem:s1+$0x8150] =	vst v5;
	v3 =	vadd.f32 v3, v7;
	v5 =	vadd.f32 v10, v20  }
0x9b: {  	v7 =	vld [tilespmem:s14+$0x4130];
	[tilespmem:s1+$0x8160] =	vst v4;
	v4 =	vadd.f32 v14, v6  }
0x9c: {  	v6 =	vld [tilespmem:s14+$0x4140];
	[tilespmem:s1+$0x8170] =	vst v3;
	v3 =	vadd.f32 v13, v5  }
0x9d: {  	v5 =	vld [tilespmem:s14+$0x4150];
	[tilespmem:s1+$0x8500] =	vst v4  }
0x9e: {  	v4 =	vld [tilespmem:s14+$0x4160];
	[tilespmem:s1+$0x8510] =	vst v3;
	s1 =	smov.u32 s14  }
0x9f: {  	v3 =	vld [tilespmem:s1+$0x4170]  }
0xa0: {  	v17 =	vld [tilespmem:s1+$0x100]  }
0xa1: {  	v18 =	vld [tilespmem:s1+$0x110]  }
0xa2: {  	v25 =	vld [tilespmem:s1+$0x120]  }
0xa3: {  	v16 =	vld [tilespmem:s1+$0x130]  }
0xa4: {  	v15 =	vld [tilespmem:s1+$0x140]  }
0xa5: {  	v14 =	vld [tilespmem:s1+$0x150]  }
0xa6: {  	v13 =	vld [tilespmem:s1+$0x160]  }
0xa7: {  	v12 =	vld [tilespmem:s1+$0x170]  }
0xa8: {  	v11 =	vld [tilespmem:s1+$0x500]  }
0xa9: {  	v10 =	vld [tilespmem:s1+$0x510]  }
0xaa: {  	v19 =	vld [tilespmem:s1+$0x8100]  }
0xab: {  	v23 =	vld [tilespmem:s1+$0x8110]  }
0xac: {  	v26 =	vld [tilespmem:s1+$0x8120]  }
.Ltmp0:
0xad: {  	v21 =	vld [tilespmem:s1+$0x8130];
	(pc) =	sbr.rel @p0 .LBB2_2-.Ltmp0, $4  }
0xae: {  	v20 =	vld [tilespmem:s1+$0x8140]  }
0xaf: {  	v17 =	vadd.f32 v17, v19;
	v19 =	vld [tilespmem:s1+$0x8150]  }
0xb0: {  	v24 =	vadd.f32 v18, v23;
	v18 =	vld [tilespmem:s1+$0x8160]  }
0xb1: {  	s9 =	sadd.s32 $0x100, s9;
	v23 =	vadd.f32 v22, v17;
	v22 =	vadd.f32 v25, v26;
	v17 =	vld [tilespmem:s1+$0x8170]  }
0xb2: {  	v9 =	vadd.f32 v9, v24;
	v54 =	vld [tilespmem:s1+$0x8500];
	v16 =	vadd.f32 v16, v21  }
0xb3: {  	v55 =	vld [tilespmem:s1+$0x8510];
	[tilespmem:s1+$0x8100] =	vst v23;
	v8 =	vadd.f32 v8, v22;
	v56 =	vadd.f32 v15, v20  }
0xb4: {  	v57 =	vld [tilespmem:s1+$0x4500];
	[tilespmem:s1+$0x8110] =	vst v9;
	v7 =	vadd.f32 v7, v16;
	v14 =	vadd.f32 v14, v19  }
0xb5: {  	v59 =	vld [tilespmem:s1+$0x4510];
	[tilespmem:s1+$0x8120] =	vst v8;
	v6 =	vadd.f32 v6, v56;
	v58 =	vadd.f32 v13, v18  }
0xb6: {  	[tilespmem:s1+$0x8130] =	vst v7;
	v5 =	vadd.f32 v5, v14;
	v60 =	vadd.f32 v12, v17  }
0xb7: {  	[tilespmem:s1+$0x8140] =	vst v6;
	v4 =	vadd.f32 v4, v58;
	v61 =	vadd.f32 v11, v54  }
0xb8: {  	v62 =	vadd.f32 v10, v55;
	[tilespmem:s1+$0x8150] =	vst v5;
	v3 =	vadd.f32 v3, v60  }
0xb9: {  	[tilespmem:s1+$0x8160] =	vst v4;
	v63 =	vadd.f32 v57, v61  }
0xba: {  	s0 =	sadd.s32 $0x1, s0;
	[tilespmem:s1+$0x8170] =	vst v3;
	v3 =	vadd.f32 v59, v62  }
0xbb: {  	p0 =	sne.s32 s0, s8;
	[tilespmem:s1+$0x8500] =	vst v63  }
.Ltmp1:
0xbc: {  	[tilespmem:s1+$0x8510] =	vst v3;
	(pc) =	sbr.rel @p0 .LBB2_1-.Ltmp1, $4  }
0xbd: {  	[hbm4b:s7+s2] =	stream.linear.scatter [tilespmem:s10], [sflag:$0x4], $0x4000, $0x38;
	[tilespmem:$0xC100] =	vst v63  }
0xbe: {  	_ =	swait.ge [sflag:s31], $0x4000  }
0xbf: {  	[sflag:s31] =	ssyncset.done $0x0  }
0xc0: {  	[sflag:s31] =	ssyncadd.s32 $0xFFFFC000  }
0xc1: {  	_ =	sfence.sel $0x180000  }
0xc2: {  	[bflag:$0x0] =	sbarrier.arrive $0xFFFF  }
0xc3: {  	_ =	strace $0x90000047  }
0xc4: {  	s0 =	stileid.u32;
	[bflag:$0x2] =	sbarrier.arrive $0xFFFF  }
0xc5: {  	p0 =	sne.s32 s0, $0x0;
	s0 =	rddreg [dreg:$0x1]  }
0xc6: {  	s0 =	sadd.s32 @!p0 $0x100000, s0  }
0xc7: {  	[sflag:s0] =	ssyncadd.tile.s32 @!p0 $0x1;
	_ =	shalt  }
.Lfunc_end2:
_tile_overlayer_lowered:
.L_overlay_start_2:
0xc8: {  	(tag) =	ssettag $0x2  }
0xc9: {  	s0 =	rddreg [dreg:$0x0];
	s2 =	stileid.u32  }
0xca: {  	s1 =	rddreg [dreg:$0x1];
	p0 =	sne.s32 s2, $0x0  }
0xcb: {  	s3 =	rddreg [dreg:$0x2];
	[bflag:$0x3] =	sbarrier.arrive $0xFFFF;
	s2 =	simm.s32 @!p0 $0x1C04  }
0xcc: {  	[timem:s3], [sflag:s2] =	dma.local @!p0 [hbm:s0], s1  }
0xcd: {  	s0 =	simm.s32 @!p0 $0x4  }
0xce: {  	_ =	swait.ge @!p0 [sflag:s0], s1  }
0xcf: {  	s1 =	ssub.s32 @!p0 $0x0, s1;
	[sflag:s0] =	ssyncset.done @!p0 $0x0  }
0xd0: {  	[sflag:s0] =	ssyncadd.s32 @!p0 s1  }
0xd1: {  	[bflag:$0x3] =	sbarrier.arrive $0xFFFF  }
0xd2: {  	_ =	shalt  }

// kernel: kernel.7.cloned.1.call-start
scs
__scs_entry_jumppad:
0x0: {  	(pc) =	sbr.rel $0x88, $3  }
0x1: {  	(tag) =	ssettag $0x0;
	lr =	simm.s32 $0x1  }
0x2: {  	[smem:$0x3F9D] =	sst lr;
	_ =	strace $0xD0000000  }
0x3: {  	_ = 	snop  }
0x4: {  	_ = 	snop  }
0x5: {  	_ = 	snop  }
0x6: {  	_ = 	snop  }
0x7: {  	_ = 	snop  }
__scs_overlays_trampoline_lowered:
0x8: {  	[smem:$0x3FAC] =	sst s0  }
0x9: {  	[smem:$0x3FAD] =	sst s1  }
0xa: {  	[smem:$0x3FAE] =	sst s2  }
0xb: {  	[smem:$0x3FAF] =	sst s3  }
0xc: {  	[smem:$0x3FB0] =	sst s4  }
0xd: {  	[smem:$0x3FB1] =	sst s5  }
0xe: {  	[smem:$0x3FB2] =	sst s6  }
0xf: {  	[smem:$0x3FB3] =	sst s7  }
0x10: {  	[smem:$0x3FB4] =	sst s8  }
0x11: {  	[smem:$0x3FB5] =	sst s9;
	s0 =	simm.s32 @!p0 $0x0  }
0x12: {  	s1 =	sld [smem:$0x3F9B];
	s0 =	simm.s32 @p0 $0x1  }
0x13: {  	[smem:$0x3FB6] =	sst s0;
	s0 =	simm.s32 @!p1 $0x0  }
0x14: {  	s2 =	sld [smem:$0x3F9A];
	s0 =	simm.s32 @p1 $0x1  }
0x15: {  	[smem:$0x3FB7] =	sst s0;
	s0 =	simm.s32 @!p2 $0x0  }
0x16: {  	s3 =	sld [smem:$0x3FDB];
	s0 =	simm.s32 @p2 $0x1  }
0x17: {  	s4 =	simm.s32 $0x1BF5;
	[smem:$0x3FB9] =	sst s0  }
0x18: {  	s0 =	sld [smem:$0x3F9C];
	_ =	swait.ge [sflag:s4], $0x0  }
0x19: {  	s7 =	sld [smem:$0x3F9D]  }
0x1a: {  	s8 =	sadd.s32 $0xFFFFE003, lr  }
0x1b: {  	s9 =	sadd.s32 $0xFFFFFEF7, lr;
	s5 =	simm.s32 $0xFFFFFFFF;
	p2 =	slt.u32 s8, $0xFFFFF086  }
0x1c: {  	p1 =	slt.u32 s9, $0xF7A;
	s5 =	simm.s32 @!p2 $0x0  }
0x1d: {  	s5 =	simm.s32 @p1 $0x1;
	p0 =	seq.s32 s7, s2  }
0x1e: {  	s7 =	smul.u32 @!p0 $0xF7A, s2;
	p2 =	seq.s32 @!p0 s5, $0x0  }
0x1f: {  	s9 =	smul.u32 $0xF7A, s1;
	s8 =	simm.s32 @!p0 $0x1BF5;
	p2 =	por !p2, p0  }
0x20: {  	[sflag:s8] =	ssyncset.s32 @!p0 $0xFFFFF086;
	s6 =	sadd.s32 @!p0 s3, s7;
	s7 =	simm.s32 @!p0 $0x108  }
0x21: {  	s3 =	sadd.s32 s3, s9;
	s6 =	sadd.s32 @!p0 $0x88, s6;
	s7 =	simm.s32 @p2 $0x1082  }
0x22: {  	[simem:s7], [sflag:s8] =	dma.local @!p0 [hbm:s6], $0xF7A  }
0x23: {  	s9 =	sor.u32 $0xD0000000, s2;
	s6 =	simm.s32 $0x108;
	_ =	swait.ge @!p0 [sflag:s8], $0x0  }
0x24: {  	s3 =	sadd.s32 $0x88, s3;
	s6 =	simm.s32 @!p1 $0x1082;
	[sflag:s4] =	ssyncset.s32 $0xFFFFF086  }
0x25: {  	[simem:s6], [sflag:s4] =	dma.local [hbm:s3], $0xF7A  }
0x26: {  	[smem:$0x3F9D] =	sst s1;
	(tag) =	ssettag s2;
	_ =	strace s9  }
0x27: {  	s1 =	sld [smem:$0x3FAD]  }
0x28: {  	s2 =	sld [smem:$0x3FAE]  }
0x29: {  	s4 =	sld [smem:$0x3FB0]  }
0x2a: {  	p0 =	seq.s32 s5, $0x0;
	s5 =	sld [smem:$0x3FB1]  }
0x2b: {  	s6 =	sld [smem:$0x3FB2]  }
0x2c: {  	s7 =	sld [smem:$0x3FB3]  }
0x2d: {  	s3 =	simm.s32 $0x108;
	s8 =	sld [smem:$0x3FB4]  }
0x2e: {  	s3 =	simm.s32 @!p0 $0x1082;
	s9 =	sld [smem:$0x3FB5]  }
0x2f: {  	lr =	sadd.s32 s0, s3;
	s0 =	sld [smem:$0x3FAC]  }
0x30: {  	s3 =	sld [smem:$0x3FAF]  }
0x31: {  	[smem:$0x3FB8] =	sst s10  }
0x32: {  	s10 =	sld [smem:$0x3FB6];
	_ =	sdelay $0x3  }
0x33: {  	p0 =	seq.s32 s10, $0x1;
	s10 =	sld [smem:$0x3FB8];
	_ =	sdelay $0x3  }
0x34: {  	[smem:$0x3FB8] =	sst s10  }
0x35: {  	s10 =	sld [smem:$0x3FB7];
	_ =	sdelay $0x3  }
0x36: {  	p1 =	seq.s32 s10, $0x1;
	s10 =	sld [smem:$0x3FB8];
	_ =	sdelay $0x3  }
0x37: {  	[smem:$0x3FB8] =	sst s10  }
0x38: {  	s10 =	sld [smem:$0x3FB9]  }
0x39: {  	_ = 	snop;
	(pc) =	sbr.ind lr, $3  }
0x3a: {  	_ = 	snop  }
0x3b: {  	_ = 	snop  }
0x3c: {  	p2 =	seq.s32 s10, $0x1;
	s10 =	sld [smem:$0x3FB8]  }
0x3d: {  	_ =	shalt  }
0x3e: {  	_ =	shalt  }
0x3f: {  	_ =	shalt  }
0x40: {  	_ =	shalt  }
0x41: {  	_ =	shalt  }
0x42: {  	_ =	shalt  }
0x43: {  	_ =	shalt  }
0x44: {  	_ =	shalt  }
0x45: {  	_ =	shalt  }
0x46: {  	_ =	shalt  }
0x47: {  	_ =	shalt  }
0x48: {  	_ =	shalt  }
0x49: {  	_ =	shalt  }
0x4a: {  	_ =	shalt  }
0x4b: {  	_ =	shalt  }
0x4c: {  	_ =	shalt  }
0x4d: {  	_ =	shalt  }
0x4e: {  	_ =	shalt  }
0x4f: {  	_ =	shalt  }
0x50: {  	_ =	shalt  }
0x51: {  	_ =	shalt  }
0x52: {  	_ =	shalt  }
0x53: {  	_ =	shalt  }
0x54: {  	_ =	shalt  }
0x55: {  	_ =	shalt  }
0x56: {  	_ =	shalt  }
0x57: {  	_ =	shalt  }
0x58: {  	_ =	shalt  }
0x59: {  	_ =	shalt  }
0x5a: {  	_ =	shalt  }
0x5b: {  	_ =	shalt  }
0x5c: {  	_ =	shalt  }
0x5d: {  	_ =	shalt  }
0x5e: {  	_ =	shalt  }
0x5f: {  	_ =	shalt  }
0x60: {  	_ =	shalt  }
0x61: {  	_ =	shalt  }
0x62: {  	_ =	shalt  }
0x63: {  	_ =	shalt  }
0x64: {  	_ =	shalt  }
0x65: {  	_ =	shalt  }
0x66: {  	_ =	shalt  }
0x67: {  	_ =	shalt  }
0x68: {  	_ =	shalt  }
0x69: {  	_ =	shalt  }
0x6a: {  	_ =	shalt  }
0x6b: {  	_ =	shalt  }
0x6c: {  	_ =	shalt  }
0x6d: {  	_ =	shalt  }
0x6e: {  	_ =	shalt  }
0x6f: {  	_ =	shalt  }
0x70: {  	_ =	shalt  }
0x71: {  	_ =	shalt  }
0x72: {  	_ =	shalt  }
0x73: {  	_ =	shalt  }
0x74: {  	_ =	shalt  }
0x75: {  	_ =	shalt  }
0x76: {  	_ =	shalt  }
0x77: {  	_ =	shalt  }
0x78: {  	_ =	shalt  }
0x79: {  	_ =	shalt  }
0x7a: {  	_ =	shalt  }
0x7b: {  	_ =	shalt  }
0x7c: {  	_ =	shalt  }
0x7d: {  	_ =	shalt  }
0x7e: {  	_ =	shalt  }
0x7f: {  	_ =	shalt  }
0x80: {  	_ =	shalt  }
0x81: {  	_ =	shalt  }
0x82: {  	_ =	shalt  }
0x83: {  	_ =	shalt  }
0x84: {  	_ =	shalt  }
0x85: {  	_ =	shalt  }
0x86: {  	_ =	shalt  }
0x87: {  	_ =	shalt  }
.Lfunc_end0:
.L_simem_size_0:
called_computation_lowered:
.L_overlay_start_0:
0x88: {  	s2 =	sld [smem:$0x3FD9]  }
0x89: {  	s3 =	sld [smem:$0x3FFE];
	_ =	sdelay $0x1  }
0x8a: {  	s1 =	srdreg.scid  }
0x8b: {  	s0 =	sand.u32 $0x1, s1  }
0x8c: {  	s17 =	sshll.u32 s0, $0xA;
	s2 =	sadd.s32 s3, s2  }
0x8d: {  	s2 =	sadd.s32 s2, s17  }
0x8e: {  	[smem:$0x3FC4] =	sst s2  }
0x8f: {  	_ = 	snop  }
0x90: {  	s18 =	sld [smem:$0x3FD0];
	(tm) =	ssettm $0x1  }
0x91: {  	s19 =	sld [smem:$0x3FFB];
	_ =	sdelay $0x3  }
0x92: {  	_ =	strace s19  }
0x93: {  	s2 =	sld [smem:$0x3FFC];
	_ =	sdelay $0x3  }
0x94: {  	_ =	strace s2  }
0x95: {  	s2 =	sld [smem:$0x3FFD];
	_ =	sdelay $0x3  }
0x96: {  	_ =	strace s2  }
0x97: {  	_ =	strace $0x8FFFFFFF  }
0x98: {  	s20 =	sld [smem:$0x3FDB];
	_ =	sdelay $0x1  }
0x99: {  	s4 =	simm.s32 $_scs_section_size  }
0x9a: {  	s5 =	simm.s32 $_size__tile_overlayer_lowered;
	s6 =	simm.s32 $_tile_overlayer_lowered  }
0x9b: {  	s7 =	simm.s32 $0x1BFF;
	s21 =	sshll.u32 s6, $0x1;
	s4 =	sadd.s32 s4, s20  }
0x9c: {  	s22 =	simm.s32 $0x0;
	s5 =	sshll.u32 s5, $0x1;
	s6 =	sadd.s32 s21, s4  }
0x9d: {  	[timem:s22], [sflag:s7] =	dma.local [hbm:s6], s5  }
0x9e: {  	_ =	swait.ge [sflag:s7], s5  }
0x9f: {  	s5 =	ssub.s32 $0x0, s5;
	[sflag:s7] =	ssyncset.done $0x0  }
0xa0: {  	[sflag:s7] =	ssyncadd.s32 s5;
	_ =	sdelay $0x1  }
0xa1: {  	s23 =	simm.s32 $0x1B8B  }
0xa2: {  	_ =	swait.ge [sflag:s23], $0x1  }
0xa3: {  	[sflag:s23] =	ssyncset.done $0x0  }
0xa4: {  	[sflag:s23] =	ssyncadd.s32 $0xFFFFFFFF  }
0xa5: {  	s5 =	sld [smem:$0x0]  }
0xa6: {  	s6 =	sand.u32 $0xFFFFFFFE, s1  }
0xa7: {  	p0 =	sne.s32 s1, s6  }
0xa8: {  	s6 =	sshll.u32 @p0 s6, $0xE  }
0xa9: {  	s6 =	sadd.s32 @p0 $0x11B8D, s6;
	s7 =	sshll.u32 @p0 s5, $0x11  }
0xaa: {  	s6 =	sor.u32 @p0 s7, s6  }
0xab: {  	[sflag:s6] =	ssyncadd.remote.s32 @p0 $0x1;
	_ =	sdelay $0x1  }
0xac: {  	s6 =	simm.s32 @p0 $0x1B8D  }
0xad: {  	_ =	swait.eq @p0 [sflag:s6], $0x1  }
0xae: {  	[sflag:s6] =	ssyncadd.s32 @p0 $0xFFFFFFFF  }
0xaf: {  	s7 =	sshll.u32 @!p0 s1, $0xE  }
0xb0: {  	s7 =	sor.u32 @!p0 $0x4000, s7;
	s6 =	simm.s32 @!p0 $0x1B8D  }
0xb1: {  	s5 =	sshll.u32 @!p0 s5, $0x11;
	s7 =	sadd.s32 @!p0 $0x11B8D, s7;
	_ =	swait.eq @!p0 [sflag:s6], $0x1  }
0xb2: {  	s5 =	sor.u32 @!p0 s5, s7;
	[sflag:s6] =	ssyncadd.s32 @!p0 $0xFFFFFFFF  }
0xb3: {  	s25 =	simm.s32 $0x1B8E;
	s24 =	sld [smem:$0x3FFE];
	[sflag:s5] =	ssyncadd.remote.s32 @!p0 $0x1  }
0xb4: {  	s26 =	simm.s32 $execute0_lowered;
	[smem:$0x3FD2] =	sst s25  }
0xb5: {  	s6 =	sshll.u32 s26, $0x1;
	_ =	strace $0x80000049;
	[dreg:$0x1] =	wrdreg $0xFFFFFFFF  }
0xb6: {  	s28 =	simm.s32 $_size_execute0_lowered;
	s4 =	sadd.s32 s4, s6;
	[dreg:$0x0] =	wrdreg $0x0  }
0xb7: {  	s6 =	sshll.u32 s28, $0x1;
	[dreg:$0x2] =	wrdreg s4  }
0xb8: {  	[dreg:$0x3] =	wrdreg s6  }
0xb9: {  	[dreg:$0x4] =	wrdreg $0xC0  }
0xba: {  	_ =	task [dreg:s22], $0x5FFFF  }
0xbb: {  	[dreg:$0x1] =	wrdreg $0xFFFFFFFF  }
0xbc: {  	[dreg:$0x0] =	wrdreg $0x60  }
0xbd: {  	[dreg:$0x2] =	wrdreg s24  }
0xbe: {  	[dreg:$0x3] =	wrdreg s18  }
0xbf: {  	[dreg:$0x4] =	wrdreg $0x9  }
0xc0: {  	_ =	task.clear_ibuf [dreg:s22], $0x5FFFF;
	_ =	strace $0x90000049  }
0xc1: {  	s29 =	simm.s32 $0x9;
	_ =	strace $0x8000004B  }
0xc2: {  	_ =	swait.ge [sflag:s29], $0x1  }
0xc3: {  	[sflag:s29] =	ssyncadd.s32 $0xFFFFFFFF  }
0xc4: {  	_ =	strace $0x9000004B  }
0xc5: {  	_ =	sfence  }
0xc6: {  	s30 =	sld [smem:$0x0];
	_ =	sdelay $0x2  }
0xc7: {  	s31 =	sshll.u32 s1, $0xD;
	s1 =	sshrl.u32 s1, $0x2  }
0xc8: {  	s4 =	sand.u32 $0x4000, s31;
	s1 =	sadd.s32 s1, s30  }
0xc9: {  	s0 =	sor.u32 s4, s0;
	s1 =	sshll.u32 s1, $0x11  }
0xca: {  	s0 =	sor.u32 s1, s0  }
0xcb: {  	s0 =	sadd.s32 $0x8F2B, s0  }
0xcc: {  	[sflag:s0] =	ssyncadd.remote.s32 $0x1  }
0xcd: {  	_ =	sfence.sel $0xFFFF  }
0xce: {  	[dreg:$0x0] =	wrdreg $0xFFFFFFFF;
	(pc) =	sbr.abs _section_cstart, $3  }
0xcf: {  	[dreg:$0x1] =	wrdreg $0xFFFFFFFF  }
0xd0: {  	_ =	task.clear_ibuf [dreg:s22], $0x2FFFF;
	_ =	strace $0x9FFFFFFF  }
0xd1: {  	(tm) =	ssettm $0x7FFFFFFF  }
tec
execute0_lowered:
.L_overlay_start_1:
0x0: {  	(tag) =	ssettag $0x1  }
0x1: {  	s0 =	srdreg.scid  }
0x2: {  	s2 =	stileid.u32;
	s5 =	rddreg [dreg:$0x0]  }
0x3: {  	s7 =	rddreg [dreg:$0x1];
	s10 =	simm.s32 $0x8100;
	s11 =	simm.s32 $0x1  }
0x4: {  	s12 =	simm.s32 $0x2;
	s16 =	simm.s32 $0x1900;
	s17 =	simm.s32 $0x2100  }
0x5: {  	s18 =	simm.s32 $0x2900;
	s19 =	simm.s32 $0x3100;
	s20 =	simm.s32 $0x3900  }
0x6: {  	s21 =	simm.s32 $0x4100;
	s22 =	simm.s32 $0x4900;
	s23 =	simm.s32 $0x5100  }
0x7: {  	s24 =	simm.s32 $0x5900;
	s25 =	simm.s32 $0x6100;
	s28 =	simm.s32 $0x7100  }
0x8: {  	s29 =	simm.s32 $0x7900;
	s30 =	simm.s32 $0x3;
	s31 =	simm.s32 $0x4  }
0x9: {  	s0 =	sand.u32 $0x1, s0;
	s1 =	sshll.u32 s2, $0x1;
	s4 =	sshrl.u32 s2, $0x3  }
0xa: {  	s2 =	simm.s32 $0x0;
	s1 =	sor.u32 s0, s1;
	s6 =	sshll.u32 s4, $0xA  }
0xb: {  	[smem:$0x7FF] =	sst s2;
	s0 =	ssub.s32 $0x2, s0;
	s3 =	sshll.u32 s1, $0x6  }
0xc: {  	s4 =	sshll.u32 s4, $0x12;
	_ =	strace $0x8000004A;
	s8 =	ssub.s32 s3, s6  }
0xd: {  	s1 =	sshll.u32 s1, $0xB;
	s26 =	sshrl.u32 s0, $0x1;
	s9 =	sand.u32 $0xFFFFFF80, s8  }
0xe: {  	s3 =	sand.u32 $0x40, s3;
	s1 =	sadd.s32 s1, s5;
	s6 =	sadd.s32 s6, s9  }
0xf: {  	s0 =	ssub.s32 s0, s26;
	s8 =	sshll.u32 s8, $0x8;
	s3 =	sor.u32 s3, s6  }
0x10: {  	s26 =	simm.s32 $0x6900;
	s8 =	sadd.s32 s4, s8;
	s6 =	sshrl.u32 s3, $0x3  }
0x11: {  	v2 =	vlaneseq.u32;
	s8 =	sshrl.u32 s8, $0x3;
	s3 =	sadd.s32 $0x43400, s5;
	s6 =	sadd.s32 s6, s5  }
0x12: {  	vm0 =	vmmov $0xffff;
	v1 =	vshrl.u32 v2, $0x3;
	s4 =	sadd.s32 $0x63600, s6;
	s5 =	sadd.s32 $0x63400, s6;
	s6 =	sadd.s32 s7, s8  }
0x13: {  	v0 =	vand.u32 $0x7, v2;
	v2 =	vor.u32 $0x8, v2;
	v1 =	vmul.u32 $0x8, v1;
	s7 =	sadd.s32 $0x63800, s1;
	s8 =	smax.u32 s0, $0x1;
	s1 =	simm.s32 $0x0  }
.LBB2_1:
0x14: {  	[tilespmem:s2], [sflag:$0x1] =	stream.linear.gather [hbm4b:s4+s2], $0x40, $0x38;
	[tilespmem:$0xC100] =	vst v63  }
0x15: {  	s0 =	simm.s32 $0x80  }
0x16: {  	[tilespmem:s0], [sflag:$0x2] =	stream.linear.gather [hbm4b:s5+s2], $0x40, $0x38;
	[tilespmem:$0xC100] =	vst v63  }
0x17: {  	_ = 	snop  }
0x18: {  	[tilespmem:s10], [sflag:$0x3] =	stream.linear.gather [hbm4b:s6+s2], $0x4000, $0x38;
	[tilespmem:$0xC100] =	vst v63  }
0x19: {  	_ =	swait.ge [sflag:s11], $0x40  }
0x1a: {  	[sflag:s11] =	ssyncset.done $0x0  }
0x1b: {  	[sflag:s11] =	ssyncadd.s32 $0xFFFFFFC0  }
0x1c: {  	_ =	swait.ge [sflag:s12], $0x40  }
0x1d: {  	[sflag:s12] =	ssyncset.done $0x0  }
0x1e: {  	[sflag:s12] =	ssyncadd.s32 $0xFFFFFFC0  }
0x1f: {  	v3 =	vld [tilespmem:$0x0];
	_ =	sdelay $0x4  }
0x20: {  	v4 =	vshll.u32 v3, $0x1  }
0x21: {  	v3 =	vand.u32 $0x7, v3;
	v4 =	vand.u32 $0xFFFFFFF0, v4  }
0x22: {  	v3 =	vor.u32 v3, v4  }
0x23: {  	v4 =	vperm.xlane v3, v0;
	_ =	sdelay $0x1  }
0x24: {  	v3 =	vperm.xlane v3, v2;
	v4 =	vadd.s32 v1, v4;
	_ =	sdelay $0x1  }
0x25: {  	v3 =	vadd.s32 v1, v3;
	_ =	sdelay $0x1  }
0x26: {  	s9 =	simm.s32 $0x100  }
0x27: {  	[tilespmem:s9], [sflag:$0x1] =	stream.indirect_vreg.gather [hbm4b:s3+s2], $0x80, v4, vm0, $0xb8;
	[tilespmem:$0xC100] =	vst v63  }
0x28: {  	s13 =	simm.s32 $0x900  }
0x29: {  	[tilespmem:s13], [sflag:$0x1] =	stream.indirect_vreg.gather [hbm4b:s3+s2], $0x80, v3, vm0, $0xb8;
	[tilespmem:$0xC100] =	vst v63  }
0x2a: {  	v3 =	vld [tilespmem:$0x10];
	_ =	sdelay $0x4  }
0x2b: {  	v4 =	vshll.u32 v3, $0x1  }
0x2c: {  	v3 =	vand.u32 $0x7, v3;
	v4 =	vand.u32 $0xFFFFFFF0, v4  }
0x2d: {  	v3 =	vor.u32 v3, v4  }
0x2e: {  	v4 =	vperm.xlane v3, v0;
	_ =	sdelay $0x1  }
0x2f: {  	v3 =	vperm.xlane v3, v2;
	v4 =	vadd.s32 v1, v4;
	_ =	sdelay $0x1  }
0x30: {  	v3 =	vadd.s32 v1, v3;
	_ =	sdelay $0x1  }
0x31: {  	s14 =	simm.s32 $0x1100  }
0x32: {  	[tilespmem:s14], [sflag:$0x1] =	stream.indirect_vreg.gather [hbm4b:s3+s2], $0x80, v4, vm0, $0xb8;
	[tilespmem:$0xC100] =	vst v63  }
0x33: {  	_ = 	snop  }
0x34: {  	[tilespmem:s16], [sflag:$0x1] =	stream.indirect_vreg.gather [hbm4b:s3+s2], $0x80, v3, vm0, $0xb8;
	[tilespmem:$0xC100] =	vst v63  }
0x35: {  	v3 =	vld [tilespmem:$0x20];
	_ =	sdelay $0x4  }
0x36: {  	v4 =	vshll.u32 v3, $0x1  }
0x37: {  	v3 =	vand.u32 $0x7, v3;
	v4 =	vand.u32 $0xFFFFFFF0, v4  }
0x38: {  	v3 =	vor.u32 v3, v4  }
0x39: {  	v4 =	vperm.xlane v3, v0;
	_ =	sdelay $0x1  }
0x3a: {  	v3 =	vperm.xlane v3, v2;
	v4 =	vadd.s32 v1, v4;
	_ =	sdelay $0x1  }
0x3b: {  	v3 =	vadd.s32 v1, v3;
	_ =	sdelay $0x2  }
0x3c: {  	[tilespmem:s17], [sflag:$0x1] =	stream.indirect_vreg.gather [hbm4b:s3+s2], $0x80, v4, vm0, $0xb8;
	[tilespmem:$0xC100] =	vst v63  }
0x3d: {  	_ = 	snop  }
0x3e: {  	[tilespmem:s18], [sflag:$0x1] =	stream.indirect_vreg.gather [hbm4b:s3+s2], $0x80, v3, vm0, $0xb8;
	[tilespmem:$0xC100] =	vst v63  }
0x3f: {  	v3 =	vld [tilespmem:$0x30];
	_ =	sdelay $0x4  }
0x40: {  	v4 =	vshll.u32 v3, $0x1  }
0x41: {  	v3 =	vand.u32 $0x7, v3;
	v4 =	vand.u32 $0xFFFFFFF0, v4  }
0x42: {  	v3 =	vor.u32 v3, v4  }
0x43: {  	v4 =	vperm.xlane v3, v0;
	_ =	sdelay $0x1  }
0x44: {  	v3 =	vperm.xlane v3, v2;
	v4 =	vadd.s32 v1, v4;
	_ =	sdelay $0x1  }
0x45: {  	v3 =	vadd.s32 v1, v3;
	_ =	sdelay $0x2  }
0x46: {  	[tilespmem:s19], [sflag:$0x1] =	stream.indirect_vreg.gather [hbm4b:s3+s2], $0x80, v4, vm0, $0xb8;
	[tilespmem:$0xC100] =	vst v63  }
0x47: {  	_ = 	snop  }
0x48: {  	[tilespmem:s20], [sflag:$0x1] =	stream.indirect_vreg.gather [hbm4b:s3+s2], $0x80, v3, vm0, $0xb8;
	[tilespmem:$0xC100] =	vst v63  }
0x49: {  	v3 =	vld [tilespmem:$0x80];
	_ =	sdelay $0x4  }
0x4a: {  	v4 =	vshll.u32 v3, $0x1  }
0x4b: {  	v3 =	vand.u32 $0x7, v3;
	v4 =	vand.u32 $0xFFFFFFF0, v4  }
0x4c: {  	v3 =	vor.u32 v3, v4  }
0x4d: {  	v4 =	vperm.xlane v3, v0;
	_ =	sdelay $0x1  }
0x4e: {  	v3 =	vperm.xlane v3, v2;
	v4 =	vadd.s32 v1, v4;
	_ =	sdelay $0x1  }
0x4f: {  	v3 =	vadd.s32 v1, v3;
	_ =	sdelay $0x2  }
0x50: {  	[tilespmem:s21], [sflag:$0x2] =	stream.indirect_vreg.gather [hbm4b:s3+s2], $0x80, v4, vm0, $0xb8;
	[tilespmem:$0xC100] =	vst v63  }
0x51: {  	_ = 	snop  }
0x52: {  	[tilespmem:s22], [sflag:$0x2] =	stream.indirect_vreg.gather [hbm4b:s3+s2], $0x80, v3, vm0, $0xb8;
	[tilespmem:$0xC100] =	vst v63  }
0x53: {  	v3 =	vld [tilespmem:$0x90];
	_ =	sdelay $0x4  }
0x54: {  	v4 =	vshll.u32 v3, $0x1  }
0x55: {  	v3 =	vand.u32 $0x7, v3;
	v4 =	vand.u32 $0xFFFFFFF0, v4  }
0x56: {  	v3 =	vor.u32 v3, v4  }
0x57: {  	v4 =	vperm.xlane v3, v0;
	_ =	sdelay $0x1  }
0x58: {  	v3 =	vperm.xlane v3, v2;
	v4 =	vadd.s32 v1, v4;
	_ =	sdelay $0x1  }
0x59: {  	v3 =	vadd.s32 v1, v3;
	_ =	sdelay $0x2  }
0x5a: {  	[tilespmem:s23], [sflag:$0x2] =	stream.indirect_vreg.gather [hbm4b:s3+s2], $0x80, v4, vm0, $0xb8;
	[tilespmem:$0xC100] =	vst v63  }
0x5b: {  	_ = 	snop  }
0x5c: {  	[tilespmem:s24], [sflag:$0x2] =	stream.indirect_vreg.gather [hbm4b:s3+s2], $0x80, v3, vm0, $0xb8;
	[tilespmem:$0xC100] =	vst v63  }
0x5d: {  	v3 =	vld [tilespmem:$0xA0];
	_ =	sdelay $0x4  }
0x5e: {  	v4 =	vshll.u32 v3, $0x1  }
0x5f: {  	v3 =	vand.u32 $0x7, v3;
	v4 =	vand.u32 $0xFFFFFFF0, v4  }
0x60: {  	v3 =	vor.u32 v3, v4  }
0x61: {  	v4 =	vperm.xlane v3, v0;
	_ =	sdelay $0x1  }
0x62: {  	v3 =	vperm.xlane v3, v2;
	v4 =	vadd.s32 v1, v4;
	_ =	sdelay $0x1  }
0x63: {  	v3 =	vadd.s32 v1, v3;
	_ =	sdelay $0x2  }
0x64: {  	[tilespmem:s25], [sflag:$0x2] =	stream.indirect_vreg.gather [hbm4b:s3+s2], $0x80, v4, vm0, $0xb8;
	[tilespmem:$0xC100] =	vst v63  }
0x65: {  	_ = 	snop  }
0x66: {  	[tilespmem:s26], [sflag:$0x2] =	stream.indirect_vreg.gather [hbm4b:s3+s2], $0x80, v3, vm0, $0xb8;
	[tilespmem:$0xC100] =	vst v63  }
0x67: {  	v3 =	vld [tilespmem:$0xB0];
	_ =	sdelay $0x4  }
0x68: {  	v4 =	vshll.u32 v3, $0x1  }
0x69: {  	v3 =	vand.u32 $0x7, v3;
	v4 =	vand.u32 $0xFFFFFFF0, v4  }
0x6a: {  	v3 =	vor.u32 v3, v4  }
0x6b: {  	v4 =	vperm.xlane v3, v0;
	_ =	sdelay $0x1  }
0x6c: {  	v3 =	vperm.xlane v3, v2;
	v4 =	vadd.s32 v1, v4;
	_ =	sdelay $0x1  }
0x6d: {  	v3 =	vadd.s32 v1, v3;
	_ =	sdelay $0x2  }
0x6e: {  	[tilespmem:s28], [sflag:$0x2] =	stream.indirect_vreg.gather [hbm4b:s3+s2], $0x80, v4, vm0, $0xb8;
	[tilespmem:$0xC100] =	vst v63  }
0x6f: {  	_ = 	snop  }
0x70: {  	[tilespmem:s29], [sflag:$0x2] =	stream.indirect_vreg.gather [hbm4b:s3+s2], $0x80, v3, vm0, $0xb8;
	[tilespmem:$0xC100] =	vst v63  }
0x71: {  	_ =	swait.ge [sflag:s11], $0x4000  }
0x72: {  	[sflag:s11] =	ssyncset.done $0x0  }
0x73: {  	[sflag:s11] =	ssyncadd.s32 $0xFFFFC000  }
0x74: {  	_ =	swait.ge [sflag:s12], $0x4000  }
0x75: {  	[sflag:s12] =	ssyncset.done $0x0  }
0x76: {  	[sflag:s12] =	ssyncadd.s32 $0xFFFFC000  }
0x77: {  	_ =	swait.ge [sflag:s30], $0x4000  }
0x78: {  	s15 =	sand.u32 $0x3800, s2;
	s9 =	sand.u32 $0x380, s2;
	[sflag:s30] =	ssyncset.done $0x0  }
0x79: {  	s0 =	sor.u32 s9, s15;
	[sflag:s30] =	ssyncadd.s32 $0xFFFFC000  }
0x7a: {  	v17 =	vld [tilespmem:s0+$0x4100]  }
0x7b: {  	v9 =	vld [tilespmem:s0+$0x4110]  }
0x7c: {  	v8 =	vld [tilespmem:s0+$0x4120]  }
0x7d: {  	v7 =	vld [tilespmem:s0+$0x4130]  }
0x7e: {  	v6 =	vld [tilespmem:s0+$0x4140]  }
0x7f: {  	v5 =	vld [tilespmem:s0+$0x4150]  }
0x80: {  	v4 =	vld [tilespmem:s0+$0x4160]  }
0x81: {  	v3 =	vld [tilespmem:s0+$0x4170]  }
0x82: {  	v18 =	vld [tilespmem:s0+$0x100]  }
0x83: {  	v22 =	vld [tilespmem:s0+$0x110]  }
0x84: {  	v25 =	vld [tilespmem:s0+$0x120]  }
0x85: {  	v16 =	vld [tilespmem:s0+$0x130]  }
0x86: {  	v15 =	vld [tilespmem:s0+$0x140]  }
0x87: {  	v14 =	vld [tilespmem:s0+$0x150]  }
0x88: {  	v13 =	vld [tilespmem:s0+$0x160]  }
0x89: {  	v12 =	vld [tilespmem:s0+$0x170]  }
0x8a: {  	v11 =	vld [tilespmem:s0+$0x500]  }
0x8b: {  	v10 =	vld [tilespmem:s0+$0x510]  }
0x8c: {  	v19 =	vld [tilespmem:s0+$0x8100]  }
0x8d: {  	v23 =	vld [tilespmem:s0+$0x8110]  }
0x8e: {  	v26 =	vld [tilespmem:s0+$0x8120]  }
0x8f: {  	v21 =	vld [tilespmem:s0+$0x8130]  }
0x90: {  	v20 =	vld [tilespmem:s0+$0x8140]  }
0x91: {  	v27 =	vadd.f32 v18, v19;
	v19 =	vld [tilespmem:s0+$0x8150]  }
0x92: {  	v24 =	vadd.f32 v22, v23;
	v18 =	vld [tilespmem:s0+$0x8160]  }
0x93: {  	s9 =	simm.s32 $0x100;
	s13 =	simm.s32 $0x0;
	v22 =	vadd.f32 v25, v26;
	v23 =	vadd.f32 v17, v27;
	v17 =	vld [tilespmem:s0+$0x8170]  }
.LBB2_2:
0x94: {  	p0 =	sne.s32 s9, $0x3F00;
	v9 =	vadd.f32 v9, v24;
	v16 =	vadd.f32 v16, v21;
	v21 =	vld [tilespmem:s0+$0x8500]  }
0x95: {  	s13 =	sadd.s32 $0x80, s13;
	[tilespmem:s0+$0x8100] =	vst v23;
	v8 =	vadd.f32 v8, v22;
	v15 =	vadd.f32 v15, v20;
	v20 =	vld [tilespmem:s0+$0x8510]  }
0x96: {  	s14 =	sand.u32 $0x3800, s9;
	s15 =	sand.u32 $0x380, s13;
	[tilespmem:s0+$0x8110] =	vst v9;
	v7 =	vadd.f32 v7, v16;
	v9 =	vadd.f32 v14, v19;
	v14 =	vld [tilespmem:s0+$0x4500]  }
0x97: {  	s14 =	sor.u32 s15, s14;
	[tilespmem:s0+$0x8120] =	vst v8;
	v6 =	vadd.f32 v6, v15;
	v8 =	vadd.f32 v13, v18;
	v13 =	vld [tilespmem:s0+$0x4510]  }
0x98: {  	v22 =	vld [tilespmem:s14+$0x4100];
	[tilespmem:s0+$0x8130] =	vst v7;
	v5 =	vadd.f32 v5, v9;
	v7 =	vadd.f32 v12, v17  }
0x99: {  	v9 =	vld [tilespmem:s14+$0x4110];
	[tilespmem:s0+$0x8140] =	vst v6;
	v4 =	vadd.f32 v4, v8;
	v6 =	vadd.f32 v11, v21  }
0x9a: {  	v8 =	vld [tilespmem:s14+$0x4120];
	[tilespmem:s0+$0x8150] =	vst v5;
	v3 =	vadd.f32 v3, v7;
	v5 =	vadd.f32 v10, v20  }
0x9b: {  	v7 =	vld [tilespmem:s14+$0x4130];
	[tilespmem:s0+$0x8160] =	vst v4;
	v4 =	vadd.f32 v14, v6  }
0x9c: {  	v6 =	vld [tilespmem:s14+$0x4140];
	[tilespmem:s0+$0x8170] =	vst v3;
	v3 =	vadd.f32 v13, v5  }
0x9d: {  	v5 =	vld [tilespmem:s14+$0x4150];
	[tilespmem:s0+$0x8500] =	vst v4  }
0x9e: {  	v4 =	vld [tilespmem:s14+$0x4160];
	[tilespmem:s0+$0x8510] =	vst v3;
	s0 =	smov.u32 s14  }
0x9f: {  	v3 =	vld [tilespmem:s0+$0x4170]  }
0xa0: {  	v17 =	vld [tilespmem:s0+$0x100]  }
0xa1: {  	v18 =	vld [tilespmem:s0+$0x110]  }
0xa2: {  	v25 =	vld [tilespmem:s0+$0x120]  }
0xa3: {  	v16 =	vld [tilespmem:s0+$0x130]  }
0xa4: {  	v15 =	vld [tilespmem:s0+$0x140]  }
0xa5: {  	v14 =	vld [tilespmem:s0+$0x150]  }
0xa6: {  	v13 =	vld [tilespmem:s0+$0x160]  }
0xa7: {  	v12 =	vld [tilespmem:s0+$0x170]  }
0xa8: {  	v11 =	vld [tilespmem:s0+$0x500]  }
0xa9: {  	v10 =	vld [tilespmem:s0+$0x510]  }
0xaa: {  	v19 =	vld [tilespmem:s0+$0x8100]  }
0xab: {  	v23 =	vld [tilespmem:s0+$0x8110]  }
0xac: {  	v26 =	vld [tilespmem:s0+$0x8120]  }
.Ltmp0:
0xad: {  	v21 =	vld [tilespmem:s0+$0x8130];
	(pc) =	sbr.rel @p0 .LBB2_2-.Ltmp0, $4  }
0xae: {  	v20 =	vld [tilespmem:s0+$0x8140]  }
0xaf: {  	v17 =	vadd.f32 v17, v19;
	v19 =	vld [tilespmem:s0+$0x8150]  }
0xb0: {  	v24 =	vadd.f32 v18, v23;
	v18 =	vld [tilespmem:s0+$0x8160]  }
0xb1: {  	s9 =	sadd.s32 $0x100, s9;
	v23 =	vadd.f32 v22, v17;
	v22 =	vadd.f32 v25, v26;
	v17 =	vld [tilespmem:s0+$0x8170]  }
0xb2: {  	v9 =	vadd.f32 v9, v24;
	v54 =	vld [tilespmem:s0+$0x8500];
	v16 =	vadd.f32 v16, v21  }
0xb3: {  	v55 =	vld [tilespmem:s0+$0x8510];
	[tilespmem:s0+$0x8100] =	vst v23;
	v8 =	vadd.f32 v8, v22;
	v56 =	vadd.f32 v15, v20  }
0xb4: {  	v57 =	vld [tilespmem:s0+$0x4500];
	[tilespmem:s0+$0x8110] =	vst v9;
	v7 =	vadd.f32 v7, v16;
	v14 =	vadd.f32 v14, v19  }
0xb5: {  	v59 =	vld [tilespmem:s0+$0x4510];
	[tilespmem:s0+$0x8120] =	vst v8;
	v6 =	vadd.f32 v6, v56;
	v58 =	vadd.f32 v13, v18  }
0xb6: {  	[tilespmem:s0+$0x8130] =	vst v7;
	v5 =	vadd.f32 v5, v14;
	v60 =	vadd.f32 v12, v17  }
0xb7: {  	[tilespmem:s0+$0x8140] =	vst v6;
	v4 =	vadd.f32 v4, v58;
	v61 =	vadd.f32 v11, v54  }
0xb8: {  	v62 =	vadd.f32 v10, v55;
	[tilespmem:s0+$0x8150] =	vst v5;
	v3 =	vadd.f32 v3, v60  }
0xb9: {  	[tilespmem:s0+$0x8160] =	vst v4;
	v63 =	vadd.f32 v57, v61  }
0xba: {  	s1 =	sadd.s32 $0x1, s1;
	[tilespmem:s0+$0x8170] =	vst v3;
	v3 =	vadd.f32 v59, v62  }
0xbb: {  	p0 =	sne.s32 s1, s8;
	[tilespmem:s0+$0x8500] =	vst v63  }
.Ltmp1:
0xbc: {  	[tilespmem:s0+$0x8510] =	vst v3;
	(pc) =	sbr.rel @p0 .LBB2_1-.Ltmp1, $4  }
0xbd: {  	[hbm4b:s7+s2] =	stream.linear.scatter [tilespmem:s10], [sflag:$0x4], $0x4000, $0x38;
	[tilespmem:$0xC100] =	vst v63  }
0xbe: {  	_ =	swait.ge [sflag:s31], $0x4000  }
0xbf: {  	[sflag:s31] =	ssyncset.done $0x0  }
0xc0: {  	[sflag:s31] =	ssyncadd.s32 $0xFFFFC000  }
0xc1: {  	_ =	sfence.sel $0x180000  }
0xc2: {  	[bflag:$0x0] =	sbarrier.arrive $0xFFFF  }
0xc3: {  	_ =	strace $0x9000004A  }
0xc4: {  	s0 =	stileid.u32;
	[bflag:$0x2] =	sbarrier.arrive $0xFFFF  }
0xc5: {  	p0 =	sne.s32 s0, $0x0;
	s0 =	rddreg [dreg:$0x2]  }
0xc6: {  	s0 =	sadd.s32 @!p0 $0x100000, s0  }
0xc7: {  	[sflag:s0] =	ssyncadd.tile.s32 @!p0 $0x1;
	_ =	shalt  }
.Lfunc_end2:
_tile_overlayer_lowered:
.L_overlay_start_2:
0xc8: {  	(tag) =	ssettag $0x2  }
0xc9: {  	s0 =	rddreg [dreg:$0x0];
	s2 =	stileid.u32  }
0xca: {  	s1 =	rddreg [dreg:$0x1];
	p0 =	sne.s32 s2, $0x0  }
0xcb: {  	s3 =	rddreg [dreg:$0x2];
	[bflag:$0x3] =	sbarrier.arrive $0xFFFF;
	s2 =	simm.s32 @!p0 $0x1C04  }
0xcc: {  	[timem:s3], [sflag:s2] =	dma.local @!p0 [hbm:s0], s1  }
0xcd: {  	s0 =	simm.s32 @!p0 $0x4  }
0xce: {  	_ =	swait.ge @!p0 [sflag:s0], s1  }
0xcf: {  	s1 =	ssub.s32 @!p0 $0x0, s1;
	[sflag:s0] =	ssyncset.done @!p0 $0x0  }
0xd0: {  	[sflag:s0] =	ssyncadd.s32 @!p0 s1  }
0xd1: {  	[bflag:$0x3] =	sbarrier.arrive $0xFFFF  }
0xd2: {  	_ =	shalt  }

</sc_bundles>
